<compile_context>
chip_gen: v7x
topology: tpu7x:2x2x1
jax: 0.10.2.dev20260603
libtpu: 0.0.44.dev20260713+nightly
codegen_flags: <defaults>
</compile_context>

<pallas_src>
import functools

import jax
import jax.numpy as jnp
from jax import lax
from jax.experimental import pallas as pl
from jax.experimental.pallas import tpu as pltpu
from jax.experimental.pallas import tpu_sc as plsc

_VOCAB = 1000000
_D = 32
_B = 4096
_L = 200

_NC = 2
_NS = 16
_NW = _NC * _NS
_BPW = _B // _NW
_S1 = 128
_S2 = _L - _S1
_G = 4
_NG = _BPW // _G
_GL = _G * _L


def _sc_pool(ids0, ids1, emb0, emb1):
    mesh = plsc.VectorSubcoreMesh(core_axis_name="c", subcore_axis_name="s")

    @functools.partial(
        pl.kernel,
        mesh=mesh,
        out_type=jax.ShapeDtypeStruct((2, _B, _D), jnp.float32),
        compiler_params=pltpu.CompilerParams(use_tc_tiling_on_sc=False),
        scratch_types=[
            pltpu.VMEM((_BPW * _L,), jnp.int32),
            pltpu.VMEM((_GL, _D), jnp.float32),
            pltpu.VMEM((_GL, _D), jnp.float32),
            pltpu.VMEM((_BPW, _D), jnp.float32),
            pltpu.SemaphoreType.DMA,
            pltpu.SemaphoreType.DMA,
        ],
    )
    def k(ids0_hbm, ids1_hbm, emb0_hbm, emb1_hbm, out_hbm,
          idx_v, rows0_v, rows1_v, acc_v, sem0, sem1):
        cid = lax.axis_index("c")
        sid = lax.axis_index("s")
        wid = sid * _NC + cid
        base = wid * _BPW
        slots = ((rows0_v, sem0), (rows1_v, sem1))

        for phase, (ids_hbm, tab_hbm) in enumerate(
            ((ids0_hbm, emb0_hbm), (ids1_hbm, emb1_hbm))
        ):
            pltpu.sync_copy(ids_hbm.at[pl.ds(base * _L, _BPW * _L)], idx_v)

            def fire(g, slot):
                buf, sem = slot
                pltpu.async_copy(
                    tab_hbm.at[idx_v.at[pl.ds(g * _GL, _GL)]], buf, sem)

            def drain(slot):
                buf, sem = slot
                pltpu.make_async_copy(
                    tab_hbm.at[pl.ds(0, _GL)], buf, sem).wait()

            def accum(g, buf):
                def acc_rows(b, c0):
                    z = jnp.zeros((16,), jnp.float32)

                    def acc_body(t, c):
                        a0e, a0o, a1e, a1o = c
                        rr = b * _L + t * 8
                        for u in range(0, 8, 2):
                            a0e = a0e + buf[rr + u, 0:16]
                            a1e = a1e + buf[rr + u, 16:32]
                            a0o = a0o + buf[rr + u + 1, 0:16]
                            a1o = a1o + buf[rr + u + 1, 16:32]
                        return (a0e, a0o, a1e, a1o)

                    a0e, a0o, a1e, a1o = lax.fori_loop(
                        0, _L // 8, acc_body, (z, z, z, z))
                    i = g * _G + b
                    acc_v[i, 0:16] = a0e + a0o
                    acc_v[i, 16:32] = a1e + a1o
                    return c0

                lax.fori_loop(0, _G, acc_rows, 0)

            fire(0, slots[0])

            def pair_body(gp, carry):
                g0 = gp * 2
                fire(g0 + 1, slots[1])
                drain(slots[0])
                accum(g0, slots[0][0])

                @pl.when(g0 + 2 < _NG)
                def _():
                    fire(g0 + 2, slots[0])

                drain(slots[1])
                accum(g0 + 1, slots[1][0])
                return carry

            lax.fori_loop(0, _NG // 2, pair_body, 0)
            pltpu.sync_copy(acc_v, out_hbm.at[phase, pl.ds(base, _BPW)])

    return k(ids0, ids1, emb0, emb1)


def _mlp_cos(sum_src, sum_tgt, W1, b1, W2, b2):

    def body(ma_ref, mb_ref, w1_ref, b1_ref, w2_ref, b2_ref, o_ref):
        inv = jnp.float32(1.0 / _L)

        def enc(m):
            h = jnp.maximum(
                jnp.dot(m, w1_ref[...], preferred_element_type=jnp.float32)
                + b1_ref[...], 0.0)
            p = (jnp.dot(h, w2_ref[...], preferred_element_type=jnp.float32)
                 + b2_ref[...])
            n = jnp.sqrt(jnp.sum(p * p, axis=-1, keepdims=True))
            return p / jnp.maximum(n, 1e-12)

        a = enc(ma_ref[...] * inv)
        b = enc(mb_ref[...] * inv)
        na = jnp.sqrt(jnp.sum(a * a, axis=-1))
        nb = jnp.sqrt(jnp.sum(b * b, axis=-1))
        o_ref[...] = jnp.sum(a * b, axis=-1) / jnp.maximum(na * nb, 1e-8)

    return pl.pallas_call(
        body,
        out_shape=jax.ShapeDtypeStruct((_B,), jnp.float32),
    )(sum_src, sum_tgt, W1, b1.reshape(1, _D), W2, b2.reshape(1, _D))


def kernel(src_ids, tgt_ids, src_lang, tgt_lang, emb0, emb1, W1, b1, W2, b2):
    src_ids = src_ids.astype(jnp.int32)
    tgt_ids = tgt_ids.astype(jnp.int32)
    swap = jnp.not_equal(jnp.asarray(src_lang).astype(jnp.int32), 0)
    ids0 = jnp.where(swap, tgt_ids, src_ids).reshape(-1)
    ids1 = jnp.where(swap, src_ids, tgt_ids).reshape(-1)
    sums = _sc_pool(ids0, ids1, emb0, emb1)
    s_src = jnp.where(swap, sums[1], sums[0])
    s_tgt = jnp.where(swap, sums[0], sums[1])
    return _mlp_cos(s_src, s_tgt, W1, b1, W2, b2)

# --- scband reference (transcript-rebuilt; emitter-appended) ---
"""Pipeline reference for scband-cross-lingual-word-embedding-18262200943085 (READ-ONLY COPY).

The authoritative reference and input builder live on the scoring server;
editing this copy changes nothing except your own understanding.
"""

import jax, jax.numpy as jnp
import numpy as np

VOCAB = 1000000
D = 32
B = 4096
L = 200


def setup_inputs(seed: int = 0) -> dict:
    key = jax.random.key(seed)
    k1, k2, k3, k4, k5, k6 = jax.random.split(key, 6)
    src_ids = jax.random.randint(k1, (B, L), 0, VOCAB, dtype=jnp.int64) if jax.config.jax_enable_x64 else jax.random.randint(k1, (B, L), 0, VOCAB).astype(jnp.int32)
    tgt_ids = jax.random.randint(k2, (B, L), 0, VOCAB).astype(src_ids.dtype)
    emb0 = (jax.random.normal(k3, (VOCAB, D), dtype=jnp.float32) * 0.02)
    emb1 = (jax.random.normal(k4, (VOCAB, D), dtype=jnp.float32) * 0.02)
    W1 = jax.random.normal(k5, (D, D), dtype=jnp.float32) * (1.0 / np.sqrt(D))
    b1 = jnp.zeros((D,), dtype=jnp.float32)
    W2 = jax.random.normal(k6, (D, D), dtype=jnp.float32) * (1.0 / np.sqrt(D))
    b2 = jnp.zeros((D,), dtype=jnp.float32)
    return {
        "src_ids": src_ids,
        "tgt_ids": tgt_ids,
        "src_lang": 0,
        "tgt_lang": 1,
        "emb0": emb0,
        "emb1": emb1,
        "W1": W1,
        "b1": b1,
        "W2": W2,
        "b2": b2,
    }


def reference(src_ids, tgt_ids, src_lang, tgt_lang, emb0, emb1, W1, b1, W2, b2):
    tables = (emb0, emb1)

    def encode(ids, lang_idx):
        # embedding lookup (gather)
        e = jax.lax.switch(
            lang_idx,
            [
                lambda x: jnp.take(tables[0], x, axis=0),
                lambda x: jnp.take(tables[1], x, axis=0),
            ],
            ids,
        )  # [B, L, D]
        m = e.mean(axis=1)  # [B, D]
        # projection MLP: Linear -> ReLU -> Linear
        h = jnp.maximum(m @ W1 + b1, 0.0)
        p = h @ W2 + b2
        # F.normalize(p, p=2, dim=-1)
        n = jnp.linalg.norm(p, axis=-1, keepdims=True)
        return p / jnp.maximum(n, 1e-12)

    a = encode(src_ids, jnp.asarray(src_lang).astype(jnp.int32))
    b = encode(tgt_ids, jnp.asarray(tgt_lang).astype(jnp.int32))
    # F.cosine_similarity(a, b, dim=-1)
    na = jnp.linalg.norm(a, axis=-1)
    nb = jnp.linalg.norm(b, axis=-1)
    sim = jnp.sum(a * b, axis=-1) / jnp.maximum(na * nb, 1e-8)
    return sim

if __name__ == "__main__":
    import jax
    _d = setup_inputs()
    print(jax.jit(kernel)(*tuple(_d.values())))

</pallas_src>

<mosaic_0001>
#map = affine_map<(d0, d1) -> (0)>
#map1 = affine_map<(d0, d1) -> (0, 0)>
#map2 = affine_map<(d0, d1) -> (0, 0, 0)>
module attributes {stable_mosaic.version = 14 : i64} {
  func.func @k(%arg0: i32, %arg1: i32, %arg2: memref<819200xi32, #tpu.memory_space<hbm>>, %arg3: memref<819200xi32, #tpu.memory_space<hbm>>, %arg4: memref<1000000x32xf32, #tpu.memory_space<hbm>>, %arg5: memref<1000000x32xf32, #tpu.memory_space<hbm>>, %arg6: memref<2x4096x32xf32, #tpu.memory_space<hbm>>, %arg7: memref<25600xi32, #tpu.memory_space<vmem>>, %arg8: memref<800x32xf32, #tpu.memory_space<vmem>>, %arg9: memref<800x32xf32, #tpu.memory_space<vmem>>, %arg10: memref<128x32xf32, #tpu.memory_space<vmem>>, %arg11: memref<!tpu.dma_semaphore, #tpu.memory_space<semaphore_mem>>, %arg12: memref<!tpu.dma_semaphore, #tpu.memory_space<semaphore_mem>>) attributes {dimension_semantics = [#tpu.dimension_semantics<core_parallel>, #tpu.dimension_semantics<subcore_parallel>], iteration_bounds = array<i64: 2, 16>, scalar_prefetch = 0 : i64, scratch_operands = 6 : i64, tpu.core_type = #tpu.core_type<sc_vector_subcore>, window_params = [{transform_indices = #map}, {transform_indices = #map}, {transform_indices = #map1}, {transform_indices = #map1}, {transform_indices = #map2}]} {
    %mul3A = arith.constant 2 : i32
    %mul3A_0 = arith.muli %arg1, %mul3A : i32
    %add3A = arith.addi %mul3A_0, %arg0 : i32
    %mul3A_1 = arith.constant 128 : i32
    %mul3A_2 = arith.muli %add3A, %mul3A_1 : i32
    %mul3A_3 = arith.constant 200 : i32
    %mul3A_4 = arith.muli %mul3A_2, %mul3A_3 : i32
    "tpu.region"() ({
      %run_scoped3A_28 = tpu.sem_alloc : memref<!tpu.dma_semaphore, #tpu.memory_space<semaphore_mem>>
      %dma_start3A_29 = tpu.memref_slice %arg2[%mul3A_4] : memref<819200xi32, #tpu.memory_space<hbm>> -> memref<25600xi32, #tpu.memory_space<hbm>>
      %dma_start3A_30 = tpu.memref_slice %arg2[%mul3A_4] : memref<819200xi32, #tpu.memory_space<hbm>> -> memref<25600xi32, #tpu.memory_space<hbm>>
      tpu.enqueue_dma source(%dma_start3A_30 : memref<25600xi32, #tpu.memory_space<hbm>>) target(%arg7 : memref<25600xi32, #tpu.memory_space<vmem>>) target_semaphore(%run_scoped3A_28 : memref<!tpu.dma_semaphore, #tpu.memory_space<semaphore_mem>>)
      %dma_wait3A = tpu.memref_slice %arg2[%mul3A_4] : memref<819200xi32, #tpu.memory_space<hbm>> -> memref<25600xi32, #tpu.memory_space<hbm>>
      %dma_wait3A_31 = tpu.memref_slice %arg2[%mul3A_4] : memref<819200xi32, #tpu.memory_space<hbm>> -> memref<25600xi32, #tpu.memory_space<hbm>>
      tpu.wait_dma2 semaphore(%run_scoped3A_28 : memref<!tpu.dma_semaphore, #tpu.memory_space<semaphore_mem>>) src(%dma_wait3A_31 : memref<25600xi32, #tpu.memory_space<hbm>>) dst(%arg7 : memref<25600xi32, #tpu.memory_space<vmem>>)
      tpu.yield
    }) : () -> ()
    %dma_start3A = arith.constant 0 : i32
    %dma_start3A_5 = tpu.memref_slice %arg7[%dma_start3A] : memref<25600xi32, #tpu.memory_space<vmem>> -> memref<800xi32, #tpu.memory_space<vmem>>
    %dma_start3A_6 = arith.constant 0 : i32
    %dma_start3A_7 = arith.constant 0 : i32
    %dma_start3A_8 = tpu.memref_slice %arg4[%dma_start3A_6, %dma_start3A_7] : memref<1000000x32xf32, #tpu.memory_space<hbm>> -> memref<1000000x32xf32, #tpu.memory_space<hbm>>
    tpu.enqueue_indirect_dma source(%dma_start3A_8 : memref<1000000x32xf32, #tpu.memory_space<hbm>>) target(%arg8 : memref<800x32xf32, #tpu.memory_space<vmem>>) offsets(%dma_start3A_5 : memref<800xi32, #tpu.memory_space<vmem>>) semaphore(%arg11 : memref<!tpu.dma_semaphore, #tpu.memory_space<semaphore_mem>>)
    %scan3A = arith.constant 0 : i32
    %scan3A_9 = arith.constant 0 : i32
    %scan3A_10 = arith.constant 16 : i32
    %scan3A_11 = arith.addi %scan3A_9, %scan3A_10 : i32
    %scan3A_12 = arith.constant 1 : i32
    scf.for %scan3A_28 = %scan3A_9 to %scan3A_11 step %scan3A_12  : i32 {
      %mul3A_29 = arith.constant 2 : i32
      %mul3A_30 = arith.muli %scan3A_28, %mul3A_29 : i32
      %add3A_31 = arith.constant 1 : i32
      %add3A_32 = arith.addi %mul3A_30, %add3A_31 : i32
      %mul3A_33 = arith.constant 800 : i32
      %mul3A_34 = arith.muli %add3A_32, %mul3A_33 : i32
      %dma_start3A_35 = tpu.memref_slice %arg7[%mul3A_34] : memref<25600xi32, #tpu.memory_space<vmem>> -> memref<800xi32, #tpu.memory_space<vmem>>
      %dma_start3A_36 = arith.constant 0 : i32
      %dma_start3A_37 = arith.constant 0 : i32
      %dma_start3A_38 = tpu.memref_slice %arg4[%dma_start3A_36, %dma_start3A_37] : memref<1000000x32xf32, #tpu.memory_space<hbm>> -> memref<1000000x32xf32, #tpu.memory_space<hbm>>
      tpu.enqueue_indirect_dma source(%dma_start3A_38 : memref<1000000x32xf32, #tpu.memory_space<hbm>>) target(%arg9 : memref<800x32xf32, #tpu.memory_space<vmem>>) offsets(%dma_start3A_35 : memref<800xi32, #tpu.memory_space<vmem>>) semaphore(%arg12 : memref<!tpu.dma_semaphore, #tpu.memory_space<semaphore_mem>>)
      %dma_wait3A = arith.constant 0 : i32
      %dma_wait3A_39 = arith.constant 0 : i32
      %dma_wait3A_40 = tpu.memref_slice %arg4[%dma_wait3A, %dma_wait3A_39] : memref<1000000x32xf32, #tpu.memory_space<hbm>> -> memref<800x32xf32, #tpu.memory_space<hbm>>
      %dma_wait3A_41 = arith.constant 0 : i32
      %dma_wait3A_42 = arith.constant 0 : i32
      %dma_wait3A_43 = tpu.memref_slice %arg4[%dma_wait3A_41, %dma_wait3A_42] : memref<1000000x32xf32, #tpu.memory_space<hbm>> -> memref<800x32xf32, #tpu.memory_space<hbm>>
      tpu.wait_dma2 semaphore(%arg11 : memref<!tpu.dma_semaphore, #tpu.memory_space<semaphore_mem>>) src(%dma_wait3A_43 : memref<800x32xf32, #tpu.memory_space<hbm>>) dst(%arg8 : memref<800x32xf32, #tpu.memory_space<vmem>>)
      %scan3A_44 = arith.constant 0 : i32
      %scan3A_45 = arith.constant 0 : i32
      %scan3A_46 = arith.constant 4 : i32
      %scan3A_47 = arith.addi %scan3A_45, %scan3A_46 : i32
      %scan3A_48 = arith.constant 1 : i32
      scf.for %scan3A_68 = %scan3A_45 to %scan3A_47 step %scan3A_48  : i32 {
        %broadcast_in_dim3A = arith.constant 0.000000e+00 : f32
        %broadcast_in_dim3A_69 = vector.broadcast %broadcast_in_dim3A : f32 to vector<16xf32>
        %scan3A_70 = arith.constant 0 : i32
        %scan3A_71 = arith.constant 25 : i32
        %scan3A_72 = arith.addi %scan3A_70, %scan3A_71 : i32
        %scan3A_73 = arith.constant 1 : i32
        %scan3A_74:4 = scf.for %scan3A_90 = %scan3A_70 to %scan3A_72 step %scan3A_73 iter_args(%scan3A_91 = %broadcast_in_dim3A_69, %scan3A_92 = %broadcast_in_dim3A_69, %scan3A_93 = %broadcast_in_dim3A_69, %scan3A_94 = %broadcast_in_dim3A_69) -> (vector<16xf32>, vector<16xf32>, vector<16xf32>, vector<16xf32>)  : i32 {
          %mul3A_95 = arith.constant 200 : i32
          %mul3A_96 = arith.muli %scan3A_68, %mul3A_95 : i32
          %mul3A_97 = arith.constant 8 : i32
          %mul3A_98 = arith.muli %scan3A_90, %mul3A_97 : i32
          %add3A_99 = arith.addi %mul3A_96, %mul3A_98 : i32
          %add3A_100 = arith.constant 0 : i32
          %add3A_101 = arith.addi %add3A_99, %add3A_100 : i32
          %get3A = arith.index_cast %add3A_101 : i32 to index
          %get3A_102 = arith.constant 0 : index
          %get3A_103 = tpu.vector_load %arg8[%get3A, %get3A_102] {strides = array<i32>} : memref<800x32xf32, #tpu.memory_space<vmem>>, vector<1x16xf32>,
          %get3A_104 = vector.shape_cast %get3A_103 : vector<1x16xf32> to vector<16xf32>
          %add3A_105 = arith.addf %scan3A_91, %get3A_104 : vector<16xf32>
          %add3A_106 = arith.constant 0 : i32
          %add3A_107 = arith.addi %add3A_99, %add3A_106 : i32
          %get3A_108 = arith.index_cast %add3A_107 : i32 to index
          %get3A_109 = arith.constant 16 : index
          %get3A_110 = tpu.vector_load %arg8[%get3A_108, %get3A_109] {strides = array<i32>} : memref<800x32xf32, #tpu.memory_space<vmem>>, vector<1x16xf32>,
          %get3A_111 = vector.shape_cast %get3A_110 : vector<1x16xf32> to vector<16xf32>
          %add3A_112 = arith.addf %scan3A_93, %get3A_111 : vector<16xf32>
          %add3A_113 = arith.constant 0 : i32
          %add3A_114 = arith.addi %add3A_99, %add3A_113 : i32
          %add3A_115 = arith.constant 1 : i32
          %add3A_116 = arith.addi %add3A_114, %add3A_115 : i32
          %get3A_117 = arith.index_cast %add3A_116 : i32 to index
          %get3A_118 = arith.constant 0 : index
          %get3A_119 = tpu.vector_load %arg8[%get3A_117, %get3A_118] {strides = array<i32>} : memref<800x32xf32, #tpu.memory_space<vmem>>, vector<1x16xf32>,
          %get3A_120 = vector.shape_cast %get3A_119 : vector<1x16xf32> to vector<16xf32>
          %add3A_121 = arith.addf %scan3A_92, %get3A_120 : vector<16xf32>
          %add3A_122 = arith.constant 0 : i32
          %add3A_123 = arith.addi %add3A_99, %add3A_122 : i32
          %add3A_124 = arith.constant 1 : i32
          %add3A_125 = arith.addi %add3A_123, %add3A_124 : i32
          %get3A_126 = arith.index_cast %add3A_125 : i32 to index
          %get3A_127 = arith.constant 16 : index
          %get3A_128 = tpu.vector_load %arg8[%get3A_126, %get3A_127] {strides = array<i32>} : memref<800x32xf32, #tpu.memory_space<vmem>>, vector<1x16xf32>,
          %get3A_129 = vector.shape_cast %get3A_128 : vector<1x16xf32> to vector<16xf32>
          %add3A_130 = arith.addf %scan3A_94, %get3A_129 : vector<16xf32>
          %add3A_131 = arith.constant 2 : i32
          %add3A_132 = arith.addi %add3A_99, %add3A_131 : i32
          %get3A_133 = arith.index_cast %add3A_132 : i32 to index
          %get3A_134 = arith.constant 0 : index
          %get3A_135 = tpu.vector_load %arg8[%get3A_133, %get3A_134] {strides = array<i32>} : memref<800x32xf32, #tpu.memory_space<vmem>>, vector<1x16xf32>,
          %get3A_136 = vector.shape_cast %get3A_135 : vector<1x16xf32> to vector<16xf32>
          %add3A_137 = arith.addf %add3A_105, %get3A_136 : vector<16xf32>
          %add3A_138 = arith.constant 2 : i32
          %add3A_139 = arith.addi %add3A_99, %add3A_138 : i32
          %get3A_140 = arith.index_cast %add3A_139 : i32 to index
          %get3A_141 = arith.constant 16 : index
          %get3A_142 = tpu.vector_load %arg8[%get3A_140, %get3A_141] {strides = array<i32>} : memref<800x32xf32, #tpu.memory_space<vmem>>, vector<1x16xf32>,
          %get3A_143 = vector.shape_cast %get3A_142 : vector<1x16xf32> to vector<16xf32>
          %add3A_144 = arith.addf %add3A_112, %get3A_143 : vector<16xf32>
          %add3A_145 = arith.constant 2 : i32
          %add3A_146 = arith.addi %add3A_99, %add3A_145 : i32
          %add3A_147 = arith.constant 1 : i32
          %add3A_148 = arith.addi %add3A_146, %add3A_147 : i32
          %get3A_149 = arith.index_cast %add3A_148 : i32 to index
          %get3A_150 = arith.constant 0 : index
          %get3A_151 = tpu.vector_load %arg8[%get3A_149, %get3A_150] {strides = array<i32>} : memref<800x32xf32, #tpu.memory_space<vmem>>, vector<1x16xf32>,
          %get3A_152 = vector.shape_cast %get3A_151 : vector<1x16xf32> to vector<16xf32>
          %add3A_153 = arith.addf %add3A_121, %get3A_152 : vector<16xf32>
          %add3A_154 = arith.constant 2 : i32
          %add3A_155 = arith.addi %add3A_99, %add3A_154 : i32
          %add3A_156 = arith.constant 1 : i32
          %add3A_157 = arith.addi %add3A_155, %add3A_156 : i32
          %get3A_158 = arith.index_cast %add3A_157 : i32 to index
          %get3A_159 = arith.constant 16 : index
          %get3A_160 = tpu.vector_load %arg8[%get3A_158, %get3A_159] {strides = array<i32>} : memref<800x32xf32, #tpu.memory_space<vmem>>, vector<1x16xf32>,
          %get3A_161 = vector.shape_cast %get3A_160 : vector<1x16xf32> to vector<16xf32>
          %add3A_162 = arith.addf %add3A_130, %get3A_161 : vector<16xf32>
          %add3A_163 = arith.constant 4 : i32
          %add3A_164 = arith.addi %add3A_99, %add3A_163 : i32
          %get3A_165 = arith.index_cast %add3A_164 : i32 to index
          %get3A_166 = arith.constant 0 : index
          %get3A_167 = tpu.vector_load %arg8[%get3A_165, %get3A_166] {strides = array<i32>} : memref<800x32xf32, #tpu.memory_space<vmem>>, vector<1x16xf32>,
          %get3A_168 = vector.shape_cast %get3A_167 : vector<1x16xf32> to vector<16xf32>
          %add3A_169 = arith.addf %add3A_137, %get3A_168 : vector<16xf32>
          %add3A_170 = arith.constant 4 : i32
          %add3A_171 = arith.addi %add3A_99, %add3A_170 : i32
          %get3A_172 = arith.index_cast %add3A_171 : i32 to index
          %get3A_173 = arith.constant 16 : index
          %get3A_174 = tpu.vector_load %arg8[%get3A_172, %get3A_173] {strides = array<i32>} : memref<800x32xf32, #tpu.memory_space<vmem>>, vector<1x16xf32>,
          %get3A_175 = vector.shape_cast %get3A_174 : vector<1x16xf32> to vector<16xf32>
          %add3A_176 = arith.addf %add3A_144, %get3A_175 : vector<16xf32>
          %add3A_177 = arith.constant 4 : i32
          %add3A_178 = arith.addi %add3A_99, %add3A_177 : i32
          %add3A_179 = arith.constant 1 : i32
          %add3A_180 = arith.addi %add3A_178, %add3A_179 : i32
          %get3A_181 = arith.index_cast %add3A_180 : i32 to index
          %get3A_182 = arith.constant 0 : index
          %get3A_183 = tpu.vector_load %arg8[%get3A_181, %get3A_182] {strides = array<i32>} : memref<800x32xf32, #tpu.memory_space<vmem>>, vector<1x16xf32>,
          %get3A_184 = vector.shape_cast %get3A_183 : vector<1x16xf32> to vector<16xf32>
          %add3A_185 = arith.addf %add3A_153, %get3A_184 : vector<16xf32>
          %add3A_186 = arith.constant 4 : i32
          %add3A_187 = arith.addi %add3A_99, %add3A_186 : i32
          %add3A_188 = arith.constant 1 : i32
          %add3A_189 = arith.addi %add3A_187, %add3A_188 : i32
          %get3A_190 = arith.index_cast %add3A_189 : i32 to index
          %get3A_191 = arith.constant 16 : index
          %get3A_192 = tpu.vector_load %arg8[%get3A_190, %get3A_191] {strides = array<i32>} : memref<800x32xf32, #tpu.memory_space<vmem>>, vector<1x16xf32>,
          %get3A_193 = vector.shape_cast %get3A_192 : vector<1x16xf32> to vector<16xf32>
          %add3A_194 = arith.addf %add3A_162, %get3A_193 : vector<16xf32>
          %add3A_195 = arith.constant 6 : i32
          %add3A_196 = arith.addi %add3A_99, %add3A_195 : i32
          %get3A_197 = arith.index_cast %add3A_196 : i32 to index
          %get3A_198 = arith.constant 0 : index
          %get3A_199 = tpu.vector_load %arg8[%get3A_197, %get3A_198] {strides = array<i32>} : memref<800x32xf32, #tpu.memory_space<vmem>>, vector<1x16xf32>,
          %get3A_200 = vector.shape_cast %get3A_199 : vector<1x16xf32> to vector<16xf32>
          %add3A_201 = arith.addf %add3A_169, %get3A_200 : vector<16xf32>
          %add3A_202 = arith.constant 6 : i32
          %add3A_203 = arith.addi %add3A_99, %add3A_202 : i32
          %get3A_204 = arith.index_cast %add3A_203 : i32 to index
          %get3A_205 = arith.constant 16 : index
          %get3A_206 = tpu.vector_load %arg8[%get3A_204, %get3A_205] {strides = array<i32>} : memref<800x32xf32, #tpu.memory_space<vmem>>, vector<1x16xf32>,
          %get3A_207 = vector.shape_cast %get3A_206 : vector<1x16xf32> to vector<16xf32>
          %add3A_208 = arith.addf %add3A_176, %get3A_207 : vector<16xf32>
          %add3A_209 = arith.constant 6 : i32
          %add3A_210 = arith.addi %add3A_99, %add3A_209 : i32
          %add3A_211 = arith.constant 1 : i32
          %add3A_212 = arith.addi %add3A_210, %add3A_211 : i32
          %get3A_213 = arith.index_cast %add3A_212 : i32 to index
          %get3A_214 = arith.constant 0 : index
          %get3A_215 = tpu.vector_load %arg8[%get3A_213, %get3A_214] {strides = array<i32>} : memref<800x32xf32, #tpu.memory_space<vmem>>, vector<1x16xf32>,
          %get3A_216 = vector.shape_cast %get3A_215 : vector<1x16xf32> to vector<16xf32>
          %add3A_217 = arith.addf %add3A_185, %get3A_216 : vector<16xf32>
          %add3A_218 = arith.constant 6 : i32
          %add3A_219 = arith.addi %add3A_99, %add3A_218 : i32
          %add3A_220 = arith.constant 1 : i32
          %add3A_221 = arith.addi %add3A_219, %add3A_220 : i32
          %get3A_222 = arith.index_cast %add3A_221 : i32 to index
          %get3A_223 = arith.constant 16 : index
          %get3A_224 = tpu.vector_load %arg8[%get3A_222, %get3A_223] {strides = array<i32>} : memref<800x32xf32, #tpu.memory_space<vmem>>, vector<1x16xf32>,
          %get3A_225 = vector.shape_cast %get3A_224 : vector<1x16xf32> to vector<16xf32>
          %add3A_226 = arith.addf %add3A_194, %get3A_225 : vector<16xf32>
          scf.yield %add3A_201, %add3A_217, %add3A_208, %add3A_226 : vector<16xf32>, vector<16xf32>, vector<16xf32>, vector<16xf32>
        }
        %scan3A_75 = arith.constant 25 : i32
        %mul3A_76 = arith.constant 4 : i32
        %mul3A_77 = arith.muli %mul3A_30, %mul3A_76 : i32
        %add3A_78 = arith.addi %mul3A_77, %scan3A_68 : i32
        %add3A_79 = arith.addf %scan3A_74#0, %scan3A_74#1 : vector<16xf32>
        %swap3A = arith.index_cast %add3A_78 : i32 to index
        %swap3A_80 = arith.constant 0 : index
        %swap3A_81 = tpu.vector_load %arg10[%swap3A, %swap3A_80] {strides = array<i32>} : memref<128x32xf32, #tpu.memory_space<vmem>>, vector<1x16xf32>,
        %swap3A_82 = vector.shape_cast %swap3A_81 : vector<1x16xf32> to vector<16xf32>
        %swap3A_83 = vector.shape_cast %add3A_79 : vector<16xf32> to vector<1x16xf32>
        tpu.vector_store %arg10[%swap3A, %swap3A_80], %swap3A_83 {strides = array<i32>} : memref<128x32xf32, #tpu.memory_space<vmem>>, vector<1x16xf32>,
        %add3A_84 = arith.addf %scan3A_74#2, %scan3A_74#3 : vector<16xf32>
        %swap3A_85 = arith.index_cast %add3A_78 : i32 to index
        %swap3A_86 = arith.constant 16 : index
        %swap3A_87 = tpu.vector_load %arg10[%swap3A_85, %swap3A_86] {strides = array<i32>} : memref<128x32xf32, #tpu.memory_space<vmem>>, vector<1x16xf32>,
        %swap3A_88 = vector.shape_cast %swap3A_87 : vector<1x16xf32> to vector<16xf32>
        %swap3A_89 = vector.shape_cast %add3A_84 : vector<16xf32> to vector<1x16xf32>
        tpu.vector_store %arg10[%swap3A_85, %swap3A_86], %swap3A_89 {strides = array<i32>} : memref<128x32xf32, #tpu.memory_space<vmem>>, vector<1x16xf32>,
      }
      %scan3A_49 = arith.constant 4 : i32
      %add3A_50 = arith.constant 2 : i32
      %add3A_51 = arith.addi %mul3A_30, %add3A_50 : i32
      %lt3A = arith.constant 32 : i32
      %lt3A_52 = arith.cmpi slt, %add3A_51, %lt3A : i32
      %convert_element_type3A = arith.extui %lt3A_52 : i1 to i32
      %cond3A = arith.constant 0 : i32
      %cond3A_53 = arith.cmpi ne, %convert_element_type3A, %cond3A : i32
      scf.if %cond3A_53 {
        %add3A_68 = arith.constant 2 : i32
        %add3A_69 = arith.addi %mul3A_30, %add3A_68 : i32
        %mul3A_70 = arith.constant 800 : i32
        %mul3A_71 = arith.muli %add3A_69, %mul3A_70 : i32
        %dma_start3A_72 = tpu.memref_slice %arg7[%mul3A_71] : memref<25600xi32, #tpu.memory_space<vmem>> -> memref<800xi32, #tpu.memory_space<vmem>>
        %dma_start3A_73 = arith.constant 0 : i32
        %dma_start3A_74 = arith.constant 0 : i32
        %dma_start3A_75 = tpu.memref_slice %arg4[%dma_start3A_73, %dma_start3A_74] : memref<1000000x32xf32, #tpu.memory_space<hbm>> -> memref<1000000x32xf32, #tpu.memory_space<hbm>>
        tpu.enqueue_indirect_dma source(%dma_start3A_75 : memref<1000000x32xf32, #tpu.memory_space<hbm>>) target(%arg8 : memref<800x32xf32, #tpu.memory_space<vmem>>) offsets(%dma_start3A_72 : memref<800xi32, #tpu.memory_space<vmem>>) semaphore(%arg11 : memref<!tpu.dma_semaphore, #tpu.memory_space<semaphore_mem>>)
      } else {
      }
      %dma_wait3A_54 = arith.constant 0 : i32
      %dma_wait3A_55 = arith.constant 0 : i32
      %dma_wait3A_56 = tpu.memref_slice %arg4[%dma_wait3A_54, %dma_wait3A_55] : memref<1000000x32xf32, #tpu.memory_space<hbm>> -> memref<800x32xf32, #tpu.memory_space<hbm>>
      %dma_wait3A_57 = arith.constant 0 : i32
      %dma_wait3A_58 = arith.constant 0 : i32
      %dma_wait3A_59 = tpu.memref_slice %arg4[%dma_wait3A_57, %dma_wait3A_58] : memref<1000000x32xf32, #tpu.memory_space<hbm>> -> memref<800x32xf32, #tpu.memory_space<hbm>>
      tpu.wait_dma2 semaphore(%arg12 : memref<!tpu.dma_semaphore, #tpu.memory_space<semaphore_mem>>) src(%dma_wait3A_59 : memref<800x32xf32, #tpu.memory_space<hbm>>) dst(%arg9 : memref<800x32xf32, #tpu.memory_space<vmem>>)
      %add3A_60 = arith.constant 1 : i32
      %add3A_61 = arith.addi %mul3A_30, %add3A_60 : i32
      %scan3A_62 = arith.constant 0 : i32
      %scan3A_63 = arith.constant 0 : i32
      %scan3A_64 = arith.constant 4 : i32
      %scan3A_65 = arith.addi %scan3A_63, %scan3A_64 : i32
      %scan3A_66 = arith.constant 1 : i32
      scf.for %scan3A_68 = %scan3A_63 to %scan3A_65 step %scan3A_66  : i32 {
        %broadcast_in_dim3A = arith.constant 0.000000e+00 : f32
        %broadcast_in_dim3A_69 = vector.broadcast %broadcast_in_dim3A : f32 to vector<16xf32>
        %scan3A_70 = arith.constant 0 : i32
        %scan3A_71 = arith.constant 25 : i32
        %scan3A_72 = arith.addi %scan3A_70, %scan3A_71 : i32
        %scan3A_73 = arith.constant 1 : i32
        %scan3A_74:4 = scf.for %scan3A_90 = %scan3A_70 to %scan3A_72 step %scan3A_73 iter_args(%scan3A_91 = %broadcast_in_dim3A_69, %scan3A_92 = %broadcast_in_dim3A_69, %scan3A_93 = %broadcast_in_dim3A_69, %scan3A_94 = %broadcast_in_dim3A_69) -> (vector<16xf32>, vector<16xf32>, vector<16xf32>, vector<16xf32>)  : i32 {
          %mul3A_95 = arith.constant 200 : i32
          %mul3A_96 = arith.muli %scan3A_68, %mul3A_95 : i32
          %mul3A_97 = arith.constant 8 : i32
          %mul3A_98 = arith.muli %scan3A_90, %mul3A_97 : i32
          %add3A_99 = arith.addi %mul3A_96, %mul3A_98 : i32
          %add3A_100 = arith.constant 0 : i32
          %add3A_101 = arith.addi %add3A_99, %add3A_100 : i32
          %get3A = arith.index_cast %add3A_101 : i32 to index
          %get3A_102 = arith.constant 0 : index
          %get3A_103 = tpu.vector_load %arg9[%get3A, %get3A_102] {strides = array<i32>} : memref<800x32xf32, #tpu.memory_space<vmem>>, vector<1x16xf32>,
          %get3A_104 = vector.shape_cast %get3A_103 : vector<1x16xf32> to vector<16xf32>
          %add3A_105 = arith.addf %scan3A_91, %get3A_104 : vector<16xf32>
          %add3A_106 = arith.constant 0 : i32
          %add3A_107 = arith.addi %add3A_99, %add3A_106 : i32
          %get3A_108 = arith.index_cast %add3A_107 : i32 to index
          %get3A_109 = arith.constant 16 : index
          %get3A_110 = tpu.vector_load %arg9[%get3A_108, %get3A_109] {strides = array<i32>} : memref<800x32xf32, #tpu.memory_space<vmem>>, vector<1x16xf32>,
          %get3A_111 = vector.shape_cast %get3A_110 : vector<1x16xf32> to vector<16xf32>
          %add3A_112 = arith.addf %scan3A_93, %get3A_111 : vector<16xf32>
          %add3A_113 = arith.constant 0 : i32
          %add3A_114 = arith.addi %add3A_99, %add3A_113 : i32
          %add3A_115 = arith.constant 1 : i32
          %add3A_116 = arith.addi %add3A_114, %add3A_115 : i32
          %get3A_117 = arith.index_cast %add3A_116 : i32 to index
          %get3A_118 = arith.constant 0 : index
          %get3A_119 = tpu.vector_load %arg9[%get3A_117, %get3A_118] {strides = array<i32>} : memref<800x32xf32, #tpu.memory_space<vmem>>, vector<1x16xf32>,
          %get3A_120 = vector.shape_cast %get3A_119 : vector<1x16xf32> to vector<16xf32>
          %add3A_121 = arith.addf %scan3A_92, %get3A_120 : vector<16xf32>
          %add3A_122 = arith.constant 0 : i32
          %add3A_123 = arith.addi %add3A_99, %add3A_122 : i32
          %add3A_124 = arith.constant 1 : i32
          %add3A_125 = arith.addi %add3A_123, %add3A_124 : i32
          %get3A_126 = arith.index_cast %add3A_125 : i32 to index
          %get3A_127 = arith.constant 16 : index
          %get3A_128 = tpu.vector_load %arg9[%get3A_126, %get3A_127] {strides = array<i32>} : memref<800x32xf32, #tpu.memory_space<vmem>>, vector<1x16xf32>,
          %get3A_129 = vector.shape_cast %get3A_128 : vector<1x16xf32> to vector<16xf32>
          %add3A_130 = arith.addf %scan3A_94, %get3A_129 : vector<16xf32>
          %add3A_131 = arith.constant 2 : i32
          %add3A_132 = arith.addi %add3A_99, %add3A_131 : i32
          %get3A_133 = arith.index_cast %add3A_132 : i32 to index
          %get3A_134 = arith.constant 0 : index
          %get3A_135 = tpu.vector_load %arg9[%get3A_133, %get3A_134] {strides = array<i32>} : memref<800x32xf32, #tpu.memory_space<vmem>>, vector<1x16xf32>,
          %get3A_136 = vector.shape_cast %get3A_135 : vector<1x16xf32> to vector<16xf32>
          %add3A_137 = arith.addf %add3A_105, %get3A_136 : vector<16xf32>
          %add3A_138 = arith.constant 2 : i32
          %add3A_139 = arith.addi %add3A_99, %add3A_138 : i32
          %get3A_140 = arith.index_cast %add3A_139 : i32 to index
          %get3A_141 = arith.constant 16 : index
          %get3A_142 = tpu.vector_load %arg9[%get3A_140, %get3A_141] {strides = array<i32>} : memref<800x32xf32, #tpu.memory_space<vmem>>, vector<1x16xf32>,
          %get3A_143 = vector.shape_cast %get3A_142 : vector<1x16xf32> to vector<16xf32>
          %add3A_144 = arith.addf %add3A_112, %get3A_143 : vector<16xf32>
          %add3A_145 = arith.constant 2 : i32
          %add3A_146 = arith.addi %add3A_99, %add3A_145 : i32
          %add3A_147 = arith.constant 1 : i32
          %add3A_148 = arith.addi %add3A_146, %add3A_147 : i32
          %get3A_149 = arith.index_cast %add3A_148 : i32 to index
          %get3A_150 = arith.constant 0 : index
          %get3A_151 = tpu.vector_load %arg9[%get3A_149, %get3A_150] {strides = array<i32>} : memref<800x32xf32, #tpu.memory_space<vmem>>, vector<1x16xf32>,
          %get3A_152 = vector.shape_cast %get3A_151 : vector<1x16xf32> to vector<16xf32>
          %add3A_153 = arith.addf %add3A_121, %get3A_152 : vector<16xf32>
          %add3A_154 = arith.constant 2 : i32
          %add3A_155 = arith.addi %add3A_99, %add3A_154 : i32
          %add3A_156 = arith.constant 1 : i32
          %add3A_157 = arith.addi %add3A_155, %add3A_156 : i32
          %get3A_158 = arith.index_cast %add3A_157 : i32 to index
          %get3A_159 = arith.constant 16 : index
          %get3A_160 = tpu.vector_load %arg9[%get3A_158, %get3A_159] {strides = array<i32>} : memref<800x32xf32, #tpu.memory_space<vmem>>, vector<1x16xf32>,
          %get3A_161 = vector.shape_cast %get3A_160 : vector<1x16xf32> to vector<16xf32>
          %add3A_162 = arith.addf %add3A_130, %get3A_161 : vector<16xf32>
          %add3A_163 = arith.constant 4 : i32
          %add3A_164 = arith.addi %add3A_99, %add3A_163 : i32
          %get3A_165 = arith.index_cast %add3A_164 : i32 to index
          %get3A_166 = arith.constant 0 : index
          %get3A_167 = tpu.vector_load %arg9[%get3A_165, %get3A_166] {strides = array<i32>} : memref<800x32xf32, #tpu.memory_space<vmem>>, vector<1x16xf32>,
          %get3A_168 = vector.shape_cast %get3A_167 : vector<1x16xf32> to vector<16xf32>
          %add3A_169 = arith.addf %add3A_137, %get3A_168 : vector<16xf32>
          %add3A_170 = arith.constant 4 : i32
          %add3A_171 = arith.addi %add3A_99, %add3A_170 : i32
          %get3A_172 = arith.index_cast %add3A_171 : i32 to index
          %get3A_173 = arith.constant 16 : index
          %get3A_174 = tpu.vector_load %arg9[%get3A_172, %get3A_173] {strides = array<i32>} : memref<800x32xf32, #tpu.memory_space<vmem>>, vector<1x16xf32>,
          %get3A_175 = vector.shape_cast %get3A_174 : vector<1x16xf32> to vector<16xf32>
          %add3A_176 = arith.addf %add3A_144, %get3A_175 : vector<16xf32>
          %add3A_177 = arith.constant 4 : i32
          %add3A_178 = arith.addi %add3A_99, %add3A_177 : i32
          %add3A_179 = arith.constant 1 : i32
          %add3A_180 = arith.addi %add3A_178, %add3A_179 : i32
          %get3A_181 = arith.index_cast %add3A_180 : i32 to index
          %get3A_182 = arith.constant 0 : index
          %get3A_183 = tpu.vector_load %arg9[%get3A_181, %get3A_182] {strides = array<i32>} : memref<800x32xf32, #tpu.memory_space<vmem>>, vector<1x16xf32>,
          %get3A_184 = vector.shape_cast %get3A_183 : vector<1x16xf32> to vector<16xf32>
          %add3A_185 = arith.addf %add3A_153, %get3A_184 : vector<16xf32>
          %add3A_186 = arith.constant 4 : i32
          %add3A_187 = arith.addi %add3A_99, %add3A_186 : i32
          %add3A_188 = arith.constant 1 : i32
          %add3A_189 = arith.addi %add3A_187, %add3A_188 : i32
          %get3A_190 = arith.index_cast %add3A_189 : i32 to index
          %get3A_191 = arith.constant 16 : index
          %get3A_192 = tpu.vector_load %arg9[%get3A_190, %get3A_191] {strides = array<i32>} : memref<800x32xf32, #tpu.memory_space<vmem>>, vector<1x16xf32>,
          %get3A_193 = vector.shape_cast %get3A_192 : vector<1x16xf32> to vector<16xf32>
          %add3A_194 = arith.addf %add3A_162, %get3A_193 : vector<16xf32>
          %add3A_195 = arith.constant 6 : i32
          %add3A_196 = arith.addi %add3A_99, %add3A_195 : i32
          %get3A_197 = arith.index_cast %add3A_196 : i32 to index
          %get3A_198 = arith.constant 0 : index
          %get3A_199 = tpu.vector_load %arg9[%get3A_197, %get3A_198] {strides = array<i32>} : memref<800x32xf32, #tpu.memory_space<vmem>>, vector<1x16xf32>,
          %get3A_200 = vector.shape_cast %get3A_199 : vector<1x16xf32> to vector<16xf32>
          %add3A_201 = arith.addf %add3A_169, %get3A_200 : vector<16xf32>
          %add3A_202 = arith.constant 6 : i32
          %add3A_203 = arith.addi %add3A_99, %add3A_202 : i32
          %get3A_204 = arith.index_cast %add3A_203 : i32 to index
          %get3A_205 = arith.constant 16 : index
          %get3A_206 = tpu.vector_load %arg9[%get3A_204, %get3A_205] {strides = array<i32>} : memref<800x32xf32, #tpu.memory_space<vmem>>, vector<1x16xf32>,
          %get3A_207 = vector.shape_cast %get3A_206 : vector<1x16xf32> to vector<16xf32>
          %add3A_208 = arith.addf %add3A_176, %get3A_207 : vector<16xf32>
          %add3A_209 = arith.constant 6 : i32
          %add3A_210 = arith.addi %add3A_99, %add3A_209 : i32
          %add3A_211 = arith.constant 1 : i32
          %add3A_212 = arith.addi %add3A_210, %add3A_211 : i32
          %get3A_213 = arith.index_cast %add3A_212 : i32 to index
          %get3A_214 = arith.constant 0 : index
          %get3A_215 = tpu.vector_load %arg9[%get3A_213, %get3A_214] {strides = array<i32>} : memref<800x32xf32, #tpu.memory_space<vmem>>, vector<1x16xf32>,
          %get3A_216 = vector.shape_cast %get3A_215 : vector<1x16xf32> to vector<16xf32>
          %add3A_217 = arith.addf %add3A_185, %get3A_216 : vector<16xf32>
          %add3A_218 = arith.constant 6 : i32
          %add3A_219 = arith.addi %add3A_99, %add3A_218 : i32
          %add3A_220 = arith.constant 1 : i32
          %add3A_221 = arith.addi %add3A_219, %add3A_220 : i32
          %get3A_222 = arith.index_cast %add3A_221 : i32 to index
          %get3A_223 = arith.constant 16 : index
          %get3A_224 = tpu.vector_load %arg9[%get3A_222, %get3A_223] {strides = array<i32>} : memref<800x32xf32, #tpu.memory_space<vmem>>, vector<1x16xf32>,
          %get3A_225 = vector.shape_cast %get3A_224 : vector<1x16xf32> to vector<16xf32>
          %add3A_226 = arith.addf %add3A_194, %get3A_225 : vector<16xf32>
          scf.yield %add3A_201, %add3A_217, %add3A_208, %add3A_226 : vector<16xf32>, vector<16xf32>, vector<16xf32>, vector<16xf32>
        }
        %scan3A_75 = arith.constant 25 : i32
        %mul3A_76 = arith.constant 4 : i32
        %mul3A_77 = arith.muli %add3A_61, %mul3A_76 : i32
        %add3A_78 = arith.addi %mul3A_77, %scan3A_68 : i32
        %add3A_79 = arith.addf %scan3A_74#0, %scan3A_74#1 : vector<16xf32>
        %swap3A = arith.index_cast %add3A_78 : i32 to index
        %swap3A_80 = arith.constant 0 : index
        %swap3A_81 = tpu.vector_load %arg10[%swap3A, %swap3A_80] {strides = array<i32>} : memref<128x32xf32, #tpu.memory_space<vmem>>, vector<1x16xf32>,
        %swap3A_82 = vector.shape_cast %swap3A_81 : vector<1x16xf32> to vector<16xf32>
        %swap3A_83 = vector.shape_cast %add3A_79 : vector<16xf32> to vector<1x16xf32>
        tpu.vector_store %arg10[%swap3A, %swap3A_80], %swap3A_83 {strides = array<i32>} : memref<128x32xf32, #tpu.memory_space<vmem>>, vector<1x16xf32>,
        %add3A_84 = arith.addf %scan3A_74#2, %scan3A_74#3 : vector<16xf32>
        %swap3A_85 = arith.index_cast %add3A_78 : i32 to index
        %swap3A_86 = arith.constant 16 : index
        %swap3A_87 = tpu.vector_load %arg10[%swap3A_85, %swap3A_86] {strides = array<i32>} : memref<128x32xf32, #tpu.memory_space<vmem>>, vector<1x16xf32>,
        %swap3A_88 = vector.shape_cast %swap3A_87 : vector<1x16xf32> to vector<16xf32>
        %swap3A_89 = vector.shape_cast %add3A_84 : vector<16xf32> to vector<1x16xf32>
        tpu.vector_store %arg10[%swap3A_85, %swap3A_86], %swap3A_89 {strides = array<i32>} : memref<128x32xf32, #tpu.memory_space<vmem>>, vector<1x16xf32>,
      }
      %scan3A_67 = arith.constant 4 : i32
    }
    %scan3A_13 = arith.constant 16 : i32
    %run_scoped3A = arith.constant 0 : i32
    "tpu.region"() ({
      %run_scoped3A_28 = tpu.sem_alloc : memref<!tpu.dma_semaphore, #tpu.memory_space<semaphore_mem>>
      %dma_start3A_29 = arith.constant 0 : i32
      %dma_start3A_30 = tpu.memref_slice %arg6[%run_scoped3A, %mul3A_2, %dma_start3A_29] : memref<2x4096x32xf32, #tpu.memory_space<hbm>> -> memref<1x128x32xf32, #tpu.memory_space<hbm>>
      %dma_start3A_31 = tpu.memref_squeeze %dma_start3A_30 : memref<1x128x32xf32, #tpu.memory_space<hbm>> -> memref<128x32xf32, #tpu.memory_space<hbm>>
      %dma_start3A_32 = arith.constant 0 : i32
      %dma_start3A_33 = tpu.memref_slice %arg6[%run_scoped3A, %mul3A_2, %dma_start3A_32] : memref<2x4096x32xf32, #tpu.memory_space<hbm>> -> memref<1x128x32xf32, #tpu.memory_space<hbm>>
      %dma_start3A_34 = tpu.memref_squeeze %dma_start3A_33 : memref<1x128x32xf32, #tpu.memory_space<hbm>> -> memref<128x32xf32, #tpu.memory_space<hbm>>
      tpu.enqueue_dma source(%arg10 : memref<128x32xf32, #tpu.memory_space<vmem>>) target(%dma_start3A_34 : memref<128x32xf32, #tpu.memory_space<hbm>>) target_semaphore(%run_scoped3A_28 : memref<!tpu.dma_semaphore, #tpu.memory_space<semaphore_mem>>)
      %dma_wait3A = arith.constant 0 : i32
      %dma_wait3A_35 = tpu.memref_slice %arg6[%run_scoped3A, %mul3A_2, %dma_wait3A] : memref<2x4096x32xf32, #tpu.memory_space<hbm>> -> memref<1x128x32xf32, #tpu.memory_space<hbm>>
      %dma_wait3A_36 = tpu.memref_squeeze %dma_wait3A_35 : memref<1x128x32xf32, #tpu.memory_space<hbm>> -> memref<128x32xf32, #tpu.memory_space<hbm>>
      %dma_wait3A_37 = arith.constant 0 : i32
      %dma_wait3A_38 = tpu.memref_slice %arg6[%run_scoped3A, %mul3A_2, %dma_wait3A_37] : memref<2x4096x32xf32, #tpu.memory_space<hbm>> -> memref<1x128x32xf32, #tpu.memory_space<hbm>>
      %dma_wait3A_39 = tpu.memref_squeeze %dma_wait3A_38 : memref<1x128x32xf32, #tpu.memory_space<hbm>> -> memref<128x32xf32, #tpu.memory_space<hbm>>
      tpu.wait_dma2 semaphore(%run_scoped3A_28 : memref<!tpu.dma_semaphore, #tpu.memory_space<semaphore_mem>>) src(%arg10 : memref<128x32xf32, #tpu.memory_space<vmem>>) dst(%dma_wait3A_39 : memref<128x32xf32, #tpu.memory_space<hbm>>)
      tpu.yield
    }) : () -> ()
    %mul3A_14 = arith.constant 200 : i32
    %mul3A_15 = arith.muli %mul3A_2, %mul3A_14 : i32
    "tpu.region"() ({
      %run_scoped3A_28 = tpu.sem_alloc : memref<!tpu.dma_semaphore, #tpu.memory_space<semaphore_mem>>
      %dma_start3A_29 = tpu.memref_slice %arg3[%mul3A_15] : memref<819200xi32, #tpu.memory_space<hbm>> -> memref<25600xi32, #tpu.memory_space<hbm>>
      %dma_start3A_30 = tpu.memref_slice %arg3[%mul3A_15] : memref<819200xi32, #tpu.memory_space<hbm>> -> memref<25600xi32, #tpu.memory_space<hbm>>
      tpu.enqueue_dma source(%dma_start3A_30 : memref<25600xi32, #tpu.memory_space<hbm>>) target(%arg7 : memref<25600xi32, #tpu.memory_space<vmem>>) target_semaphore(%run_scoped3A_28 : memref<!tpu.dma_semaphore, #tpu.memory_space<semaphore_mem>>)
      %dma_wait3A = tpu.memref_slice %arg3[%mul3A_15] : memref<819200xi32, #tpu.memory_space<hbm>> -> memref<25600xi32, #tpu.memory_space<hbm>>
      %dma_wait3A_31 = tpu.memref_slice %arg3[%mul3A_15] : memref<819200xi32, #tpu.memory_space<hbm>> -> memref<25600xi32, #tpu.memory_space<hbm>>
      tpu.wait_dma2 semaphore(%run_scoped3A_28 : memref<!tpu.dma_semaphore, #tpu.memory_space<semaphore_mem>>) src(%dma_wait3A_31 : memref<25600xi32, #tpu.memory_space<hbm>>) dst(%arg7 : memref<25600xi32, #tpu.memory_space<vmem>>)
      tpu.yield
    }) : () -> ()
    %dma_start3A_16 = arith.constant 0 : i32
    %dma_start3A_17 = tpu.memref_slice %arg7[%dma_start3A_16] : memref<25600xi32, #tpu.memory_space<vmem>> -> memref<800xi32, #tpu.memory_space<vmem>>
    %dma_start3A_18 = arith.constant 0 : i32
    %dma_start3A_19 = arith.constant 0 : i32
    %dma_start3A_20 = tpu.memref_slice %arg5[%dma_start3A_18, %dma_start3A_19] : memref<1000000x32xf32, #tpu.memory_space<hbm>> -> memref<1000000x32xf32, #tpu.memory_space<hbm>>
    tpu.enqueue_indirect_dma source(%dma_start3A_20 : memref<1000000x32xf32, #tpu.memory_space<hbm>>) target(%arg8 : memref<800x32xf32, #tpu.memory_space<vmem>>) offsets(%dma_start3A_17 : memref<800xi32, #tpu.memory_space<vmem>>) semaphore(%arg11 : memref<!tpu.dma_semaphore, #tpu.memory_space<semaphore_mem>>)
    %scan3A_21 = arith.constant 0 : i32
    %scan3A_22 = arith.constant 0 : i32
    %scan3A_23 = arith.constant 16 : i32
    %scan3A_24 = arith.addi %scan3A_22, %scan3A_23 : i32
    %scan3A_25 = arith.constant 1 : i32
    scf.for %scan3A_28 = %scan3A_22 to %scan3A_24 step %scan3A_25  : i32 {
      %mul3A_29 = arith.constant 2 : i32
      %mul3A_30 = arith.muli %scan3A_28, %mul3A_29 : i32
      %add3A_31 = arith.constant 1 : i32
      %add3A_32 = arith.addi %mul3A_30, %add3A_31 : i32
      %mul3A_33 = arith.constant 800 : i32
      %mul3A_34 = arith.muli %add3A_32, %mul3A_33 : i32
      %dma_start3A_35 = tpu.memref_slice %arg7[%mul3A_34] : memref<25600xi32, #tpu.memory_space<vmem>> -> memref<800xi32, #tpu.memory_space<vmem>>
      %dma_start3A_36 = arith.constant 0 : i32
      %dma_start3A_37 = arith.constant 0 : i32
      %dma_start3A_38 = tpu.memref_slice %arg5[%dma_start3A_36, %dma_start3A_37] : memref<1000000x32xf32, #tpu.memory_space<hbm>> -> memref<1000000x32xf32, #tpu.memory_space<hbm>>
      tpu.enqueue_indirect_dma source(%dma_start3A_38 : memref<1000000x32xf32, #tpu.memory_space<hbm>>) target(%arg9 : memref<800x32xf32, #tpu.memory_space<vmem>>) offsets(%dma_start3A_35 : memref<800xi32, #tpu.memory_space<vmem>>) semaphore(%arg12 : memref<!tpu.dma_semaphore, #tpu.memory_space<semaphore_mem>>)
      %dma_wait3A = arith.constant 0 : i32
      %dma_wait3A_39 = arith.constant 0 : i32
      %dma_wait3A_40 = tpu.memref_slice %arg5[%dma_wait3A, %dma_wait3A_39] : memref<1000000x32xf32, #tpu.memory_space<hbm>> -> memref<800x32xf32, #tpu.memory_space<hbm>>
      %dma_wait3A_41 = arith.constant 0 : i32
      %dma_wait3A_42 = arith.constant 0 : i32
      %dma_wait3A_43 = tpu.memref_slice %arg5[%dma_wait3A_41, %dma_wait3A_42] : memref<1000000x32xf32, #tpu.memory_space<hbm>> -> memref<800x32xf32, #tpu.memory_space<hbm>>
      tpu.wait_dma2 semaphore(%arg11 : memref<!tpu.dma_semaphore, #tpu.memory_space<semaphore_mem>>) src(%dma_wait3A_43 : memref<800x32xf32, #tpu.memory_space<hbm>>) dst(%arg8 : memref<800x32xf32, #tpu.memory_space<vmem>>)
      %scan3A_44 = arith.constant 0 : i32
      %scan3A_45 = arith.constant 0 : i32
      %scan3A_46 = arith.constant 4 : i32
      %scan3A_47 = arith.addi %scan3A_45, %scan3A_46 : i32
      %scan3A_48 = arith.constant 1 : i32
      scf.for %scan3A_68 = %scan3A_45 to %scan3A_47 step %scan3A_48  : i32 {
        %broadcast_in_dim3A = arith.constant 0.000000e+00 : f32
        %broadcast_in_dim3A_69 = vector.broadcast %broadcast_in_dim3A : f32 to vector<16xf32>
        %scan3A_70 = arith.constant 0 : i32
        %scan3A_71 = arith.constant 25 : i32
        %scan3A_72 = arith.addi %scan3A_70, %scan3A_71 : i32
        %scan3A_73 = arith.constant 1 : i32
        %scan3A_74:4 = scf.for %scan3A_90 = %scan3A_70 to %scan3A_72 step %scan3A_73 iter_args(%scan3A_91 = %broadcast_in_dim3A_69, %scan3A_92 = %broadcast_in_dim3A_69, %scan3A_93 = %broadcast_in_dim3A_69, %scan3A_94 = %broadcast_in_dim3A_69) -> (vector<16xf32>, vector<16xf32>, vector<16xf32>, vector<16xf32>)  : i32 {
          %mul3A_95 = arith.constant 200 : i32
          %mul3A_96 = arith.muli %scan3A_68, %mul3A_95 : i32
          %mul3A_97 = arith.constant 8 : i32
          %mul3A_98 = arith.muli %scan3A_90, %mul3A_97 : i32
          %add3A_99 = arith.addi %mul3A_96, %mul3A_98 : i32
          %add3A_100 = arith.constant 0 : i32
          %add3A_101 = arith.addi %add3A_99, %add3A_100 : i32
          %get3A = arith.index_cast %add3A_101 : i32 to index
          %get3A_102 = arith.constant 0 : index
          %get3A_103 = tpu.vector_load %arg8[%get3A, %get3A_102] {strides = array<i32>} : memref<800x32xf32, #tpu.memory_space<vmem>>, vector<1x16xf32>,
          %get3A_104 = vector.shape_cast %get3A_103 : vector<1x16xf32> to vector<16xf32>
          %add3A_105 = arith.addf %scan3A_91, %get3A_104 : vector<16xf32>
          %add3A_106 = arith.constant 0 : i32
          %add3A_107 = arith.addi %add3A_99, %add3A_106 : i32
          %get3A_108 = arith.index_cast %add3A_107 : i32 to index
          %get3A_109 = arith.constant 16 : index
          %get3A_110 = tpu.vector_load %arg8[%get3A_108, %get3A_109] {strides = array<i32>} : memref<800x32xf32, #tpu.memory_space<vmem>>, vector<1x16xf32>,
          %get3A_111 = vector.shape_cast %get3A_110 : vector<1x16xf32> to vector<16xf32>
          %add3A_112 = arith.addf %scan3A_93, %get3A_111 : vector<16xf32>
          %add3A_113 = arith.constant 0 : i32
          %add3A_114 = arith.addi %add3A_99, %add3A_113 : i32
          %add3A_115 = arith.constant 1 : i32
          %add3A_116 = arith.addi %add3A_114, %add3A_115 : i32
          %get3A_117 = arith.index_cast %add3A_116 : i32 to index
          %get3A_118 = arith.constant 0 : index
          %get3A_119 = tpu.vector_load %arg8[%get3A_117, %get3A_118] {strides = array<i32>} : memref<800x32xf32, #tpu.memory_space<vmem>>, vector<1x16xf32>,
          %get3A_120 = vector.shape_cast %get3A_119 : vector<1x16xf32> to vector<16xf32>
          %add3A_121 = arith.addf %scan3A_92, %get3A_120 : vector<16xf32>
          %add3A_122 = arith.constant 0 : i32
          %add3A_123 = arith.addi %add3A_99, %add3A_122 : i32
          %add3A_124 = arith.constant 1 : i32
          %add3A_125 = arith.addi %add3A_123, %add3A_124 : i32
          %get3A_126 = arith.index_cast %add3A_125 : i32 to index
          %get3A_127 = arith.constant 16 : index
          %get3A_128 = tpu.vector_load %arg8[%get3A_126, %get3A_127] {strides = array<i32>} : memref<800x32xf32, #tpu.memory_space<vmem>>, vector<1x16xf32>,
          %get3A_129 = vector.shape_cast %get3A_128 : vector<1x16xf32> to vector<16xf32>
          %add3A_130 = arith.addf %scan3A_94, %get3A_129 : vector<16xf32>
          %add3A_131 = arith.constant 2 : i32
          %add3A_132 = arith.addi %add3A_99, %add3A_131 : i32
          %get3A_133 = arith.index_cast %add3A_132 : i32 to index
          %get3A_134 = arith.constant 0 : index
          %get3A_135 = tpu.vector_load %arg8[%get3A_133, %get3A_134] {strides = array<i32>} : memref<800x32xf32, #tpu.memory_space<vmem>>, vector<1x16xf32>,
          %get3A_136 = vector.shape_cast %get3A_135 : vector<1x16xf32> to vector<16xf32>
          %add3A_137 = arith.addf %add3A_105, %get3A_136 : vector<16xf32>
          %add3A_138 = arith.constant 2 : i32
          %add3A_139 = arith.addi %add3A_99, %add3A_138 : i32
          %get3A_140 = arith.index_cast %add3A_139 : i32 to index
          %get3A_141 = arith.constant 16 : index
          %get3A_142 = tpu.vector_load %arg8[%get3A_140, %get3A_141] {strides = array<i32>} : memref<800x32xf32, #tpu.memory_space<vmem>>, vector<1x16xf32>,
          %get3A_143 = vector.shape_cast %get3A_142 : vector<1x16xf32> to vector<16xf32>
          %add3A_144 = arith.addf %add3A_112, %get3A_143 : vector<16xf32>
          %add3A_145 = arith.constant 2 : i32
          %add3A_146 = arith.addi %add3A_99, %add3A_145 : i32
          %add3A_147 = arith.constant 1 : i32
          %add3A_148 = arith.addi %add3A_146, %add3A_147 : i32
          %get3A_149 = arith.index_cast %add3A_148 : i32 to index
          %get3A_150 = arith.constant 0 : index
          %get3A_151 = tpu.vector_load %arg8[%get3A_149, %get3A_150] {strides = array<i32>} : memref<800x32xf32, #tpu.memory_space<vmem>>, vector<1x16xf32>,
          %get3A_152 = vector.shape_cast %get3A_151 : vector<1x16xf32> to vector<16xf32>
          %add3A_153 = arith.addf %add3A_121, %get3A_152 : vector<16xf32>
          %add3A_154 = arith.constant 2 : i32
          %add3A_155 = arith.addi %add3A_99, %add3A_154 : i32
          %add3A_156 = arith.constant 1 : i32
          %add3A_157 = arith.addi %add3A_155, %add3A_156 : i32
          %get3A_158 = arith.index_cast %add3A_157 : i32 to index
          %get3A_159 = arith.constant 16 : index
          %get3A_160 = tpu.vector_load %arg8[%get3A_158, %get3A_159] {strides = array<i32>} : memref<800x32xf32, #tpu.memory_space<vmem>>, vector<1x16xf32>,
          %get3A_161 = vector.shape_cast %get3A_160 : vector<1x16xf32> to vector<16xf32>
          %add3A_162 = arith.addf %add3A_130, %get3A_161 : vector<16xf32>
          %add3A_163 = arith.constant 4 : i32
          %add3A_164 = arith.addi %add3A_99, %add3A_163 : i32
          %get3A_165 = arith.index_cast %add3A_164 : i32 to index
          %get3A_166 = arith.constant 0 : index
          %get3A_167 = tpu.vector_load %arg8[%get3A_165, %get3A_166] {strides = array<i32>} : memref<800x32xf32, #tpu.memory_space<vmem>>, vector<1x16xf32>,
          %get3A_168 = vector.shape_cast %get3A_167 : vector<1x16xf32> to vector<16xf32>
          %add3A_169 = arith.addf %add3A_137, %get3A_168 : vector<16xf32>
          %add3A_170 = arith.constant 4 : i32
          %add3A_171 = arith.addi %add3A_99, %add3A_170 : i32
          %get3A_172 = arith.index_cast %add3A_171 : i32 to index
          %get3A_173 = arith.constant 16 : index
          %get3A_174 = tpu.vector_load %arg8[%get3A_172, %get3A_173] {strides = array<i32>} : memref<800x32xf32, #tpu.memory_space<vmem>>, vector<1x16xf32>,
          %get3A_175 = vector.shape_cast %get3A_174 : vector<1x16xf32> to vector<16xf32>
          %add3A_176 = arith.addf %add3A_144, %get3A_175 : vector<16xf32>
          %add3A_177 = arith.constant 4 : i32
          %add3A_178 = arith.addi %add3A_99, %add3A_177 : i32
          %add3A_179 = arith.constant 1 : i32
          %add3A_180 = arith.addi %add3A_178, %add3A_179 : i32
          %get3A_181 = arith.index_cast %add3A_180 : i32 to index
          %get3A_182 = arith.constant 0 : index
          %get3A_183 = tpu.vector_load %arg8[%get3A_181, %get3A_182] {strides = array<i32>} : memref<800x32xf32, #tpu.memory_space<vmem>>, vector<1x16xf32>,
          %get3A_184 = vector.shape_cast %get3A_183 : vector<1x16xf32> to vector<16xf32>
          %add3A_185 = arith.addf %add3A_153, %get3A_184 : vector<16xf32>
          %add3A_186 = arith.constant 4 : i32
          %add3A_187 = arith.addi %add3A_99, %add3A_186 : i32
          %add3A_188 = arith.constant 1 : i32
          %add3A_189 = arith.addi %add3A_187, %add3A_188 : i32
          %get3A_190 = arith.index_cast %add3A_189 : i32 to index
          %get3A_191 = arith.constant 16 : index
          %get3A_192 = tpu.vector_load %arg8[%get3A_190, %get3A_191] {strides = array<i32>} : memref<800x32xf32, #tpu.memory_space<vmem>>, vector<1x16xf32>,
          %get3A_193 = vector.shape_cast %get3A_192 : vector<1x16xf32> to vector<16xf32>
          %add3A_194 = arith.addf %add3A_162, %get3A_193 : vector<16xf32>
          %add3A_195 = arith.constant 6 : i32
          %add3A_196 = arith.addi %add3A_99, %add3A_195 : i32
          %get3A_197 = arith.index_cast %add3A_196 : i32 to index
          %get3A_198 = arith.constant 0 : index
          %get3A_199 = tpu.vector_load %arg8[%get3A_197, %get3A_198] {strides = array<i32>} : memref<800x32xf32, #tpu.memory_space<vmem>>, vector<1x16xf32>,
          %get3A_200 = vector.shape_cast %get3A_199 : vector<1x16xf32> to vector<16xf32>
          %add3A_201 = arith.addf %add3A_169, %get3A_200 : vector<16xf32>
          %add3A_202 = arith.constant 6 : i32
          %add3A_203 = arith.addi %add3A_99, %add3A_202 : i32
          %get3A_204 = arith.index_cast %add3A_203 : i32 to index
          %get3A_205 = arith.constant 16 : index
          %get3A_206 = tpu.vector_load %arg8[%get3A_204, %get3A_205] {strides = array<i32>} : memref<800x32xf32, #tpu.memory_space<vmem>>, vector<1x16xf32>,
          %get3A_207 = vector.shape_cast %get3A_206 : vector<1x16xf32> to vector<16xf32>
          %add3A_208 = arith.addf %add3A_176, %get3A_207 : vector<16xf32>
          %add3A_209 = arith.constant 6 : i32
          %add3A_210 = arith.addi %add3A_99, %add3A_209 : i32
          %add3A_211 = arith.constant 1 : i32
          %add3A_212 = arith.addi %add3A_210, %add3A_211 : i32
          %get3A_213 = arith.index_cast %add3A_212 : i32 to index
          %get3A_214 = arith.constant 0 : index
          %get3A_215 = tpu.vector_load %arg8[%get3A_213, %get3A_214] {strides = array<i32>} : memref<800x32xf32, #tpu.memory_space<vmem>>, vector<1x16xf32>,
          %get3A_216 = vector.shape_cast %get3A_215 : vector<1x16xf32> to vector<16xf32>
          %add3A_217 = arith.addf %add3A_185, %get3A_216 : vector<16xf32>
          %add3A_218 = arith.constant 6 : i32
          %add3A_219 = arith.addi %add3A_99, %add3A_218 : i32
          %add3A_220 = arith.constant 1 : i32
          %add3A_221 = arith.addi %add3A_219, %add3A_220 : i32
          %get3A_222 = arith.index_cast %add3A_221 : i32 to index
          %get3A_223 = arith.constant 16 : index
          %get3A_224 = tpu.vector_load %arg8[%get3A_222, %get3A_223] {strides = array<i32>} : memref<800x32xf32, #tpu.memory_space<vmem>>, vector<1x16xf32>,
          %get3A_225 = vector.shape_cast %get3A_224 : vector<1x16xf32> to vector<16xf32>
          %add3A_226 = arith.addf %add3A_194, %get3A_225 : vector<16xf32>
          scf.yield %add3A_201, %add3A_217, %add3A_208, %add3A_226 : vector<16xf32>, vector<16xf32>, vector<16xf32>, vector<16xf32>
        }
        %scan3A_75 = arith.constant 25 : i32
        %mul3A_76 = arith.constant 4 : i32
        %mul3A_77 = arith.muli %mul3A_30, %mul3A_76 : i32
        %add3A_78 = arith.addi %mul3A_77, %scan3A_68 : i32
        %add3A_79 = arith.addf %scan3A_74#0, %scan3A_74#1 : vector<16xf32>
        %swap3A = arith.index_cast %add3A_78 : i32 to index
        %swap3A_80 = arith.constant 0 : index
        %swap3A_81 = tpu.vector_load %arg10[%swap3A, %swap3A_80] {strides = array<i32>} : memref<128x32xf32, #tpu.memory_space<vmem>>, vector<1x16xf32>,
        %swap3A_82 = vector.shape_cast %swap3A_81 : vector<1x16xf32> to vector<16xf32>
        %swap3A_83 = vector.shape_cast %add3A_79 : vector<16xf32> to vector<1x16xf32>
        tpu.vector_store %arg10[%swap3A, %swap3A_80], %swap3A_83 {strides = array<i32>} : memref<128x32xf32, #tpu.memory_space<vmem>>, vector<1x16xf32>,
        %add3A_84 = arith.addf %scan3A_74#2, %scan3A_74#3 : vector<16xf32>
        %swap3A_85 = arith.index_cast %add3A_78 : i32 to index
        %swap3A_86 = arith.constant 16 : index
        %swap3A_87 = tpu.vector_load %arg10[%swap3A_85, %swap3A_86] {strides = array<i32>} : memref<128x32xf32, #tpu.memory_space<vmem>>, vector<1x16xf32>,
        %swap3A_88 = vector.shape_cast %swap3A_87 : vector<1x16xf32> to vector<16xf32>
        %swap3A_89 = vector.shape_cast %add3A_84 : vector<16xf32> to vector<1x16xf32>
        tpu.vector_store %arg10[%swap3A_85, %swap3A_86], %swap3A_89 {strides = array<i32>} : memref<128x32xf32, #tpu.memory_space<vmem>>, vector<1x16xf32>,
      }
      %scan3A_49 = arith.constant 4 : i32
      %add3A_50 = arith.constant 2 : i32
      %add3A_51 = arith.addi %mul3A_30, %add3A_50 : i32
      %lt3A = arith.constant 32 : i32
      %lt3A_52 = arith.cmpi slt, %add3A_51, %lt3A : i32
      %convert_element_type3A = arith.extui %lt3A_52 : i1 to i32
      %cond3A = arith.constant 0 : i32
      %cond3A_53 = arith.cmpi ne, %convert_element_type3A, %cond3A : i32
      scf.if %cond3A_53 {
        %add3A_68 = arith.constant 2 : i32
        %add3A_69 = arith.addi %mul3A_30, %add3A_68 : i32
        %mul3A_70 = arith.constant 800 : i32
        %mul3A_71 = arith.muli %add3A_69, %mul3A_70 : i32
        %dma_start3A_72 = tpu.memref_slice %arg7[%mul3A_71] : memref<25600xi32, #tpu.memory_space<vmem>> -> memref<800xi32, #tpu.memory_space<vmem>>
        %dma_start3A_73 = arith.constant 0 : i32
        %dma_start3A_74 = arith.constant 0 : i32
        %dma_start3A_75 = tpu.memref_slice %arg5[%dma_start3A_73, %dma_start3A_74] : memref<1000000x32xf32, #tpu.memory_space<hbm>> -> memref<1000000x32xf32, #tpu.memory_space<hbm>>
        tpu.enqueue_indirect_dma source(%dma_start3A_75 : memref<1000000x32xf32, #tpu.memory_space<hbm>>) target(%arg8 : memref<800x32xf32, #tpu.memory_space<vmem>>) offsets(%dma_start3A_72 : memref<800xi32, #tpu.memory_space<vmem>>) semaphore(%arg11 : memref<!tpu.dma_semaphore, #tpu.memory_space<semaphore_mem>>)
      } else {
      }
      %dma_wait3A_54 = arith.constant 0 : i32
      %dma_wait3A_55 = arith.constant 0 : i32
      %dma_wait3A_56 = tpu.memref_slice %arg5[%dma_wait3A_54, %dma_wait3A_55] : memref<1000000x32xf32, #tpu.memory_space<hbm>> -> memref<800x32xf32, #tpu.memory_space<hbm>>
      %dma_wait3A_57 = arith.constant 0 : i32
      %dma_wait3A_58 = arith.constant 0 : i32
      %dma_wait3A_59 = tpu.memref_slice %arg5[%dma_wait3A_57, %dma_wait3A_58] : memref<1000000x32xf32, #tpu.memory_space<hbm>> -> memref<800x32xf32, #tpu.memory_space<hbm>>
      tpu.wait_dma2 semaphore(%arg12 : memref<!tpu.dma_semaphore, #tpu.memory_space<semaphore_mem>>) src(%dma_wait3A_59 : memref<800x32xf32, #tpu.memory_space<hbm>>) dst(%arg9 : memref<800x32xf32, #tpu.memory_space<vmem>>)
      %add3A_60 = arith.constant 1 : i32
      %add3A_61 = arith.addi %mul3A_30, %add3A_60 : i32
      %scan3A_62 = arith.constant 0 : i32
      %scan3A_63 = arith.constant 0 : i32
      %scan3A_64 = arith.constant 4 : i32
      %scan3A_65 = arith.addi %scan3A_63, %scan3A_64 : i32
      %scan3A_66 = arith.constant 1 : i32
      scf.for %scan3A_68 = %scan3A_63 to %scan3A_65 step %scan3A_66  : i32 {
        %broadcast_in_dim3A = arith.constant 0.000000e+00 : f32
        %broadcast_in_dim3A_69 = vector.broadcast %broadcast_in_dim3A : f32 to vector<16xf32>
        %scan3A_70 = arith.constant 0 : i32
        %scan3A_71 = arith.constant 25 : i32
        %scan3A_72 = arith.addi %scan3A_70, %scan3A_71 : i32
        %scan3A_73 = arith.constant 1 : i32
        %scan3A_74:4 = scf.for %scan3A_90 = %scan3A_70 to %scan3A_72 step %scan3A_73 iter_args(%scan3A_91 = %broadcast_in_dim3A_69, %scan3A_92 = %broadcast_in_dim3A_69, %scan3A_93 = %broadcast_in_dim3A_69, %scan3A_94 = %broadcast_in_dim3A_69) -> (vector<16xf32>, vector<16xf32>, vector<16xf32>, vector<16xf32>)  : i32 {
          %mul3A_95 = arith.constant 200 : i32
          %mul3A_96 = arith.muli %scan3A_68, %mul3A_95 : i32
          %mul3A_97 = arith.constant 8 : i32
          %mul3A_98 = arith.muli %scan3A_90, %mul3A_97 : i32
          %add3A_99 = arith.addi %mul3A_96, %mul3A_98 : i32
          %add3A_100 = arith.constant 0 : i32
          %add3A_101 = arith.addi %add3A_99, %add3A_100 : i32
          %get3A = arith.index_cast %add3A_101 : i32 to index
          %get3A_102 = arith.constant 0 : index
          %get3A_103 = tpu.vector_load %arg9[%get3A, %get3A_102] {strides = array<i32>} : memref<800x32xf32, #tpu.memory_space<vmem>>, vector<1x16xf32>,
          %get3A_104 = vector.shape_cast %get3A_103 : vector<1x16xf32> to vector<16xf32>
          %add3A_105 = arith.addf %scan3A_91, %get3A_104 : vector<16xf32>
          %add3A_106 = arith.constant 0 : i32
          %add3A_107 = arith.addi %add3A_99, %add3A_106 : i32
          %get3A_108 = arith.index_cast %add3A_107 : i32 to index
          %get3A_109 = arith.constant 16 : index
          %get3A_110 = tpu.vector_load %arg9[%get3A_108, %get3A_109] {strides = array<i32>} : memref<800x32xf32, #tpu.memory_space<vmem>>, vector<1x16xf32>,
          %get3A_111 = vector.shape_cast %get3A_110 : vector<1x16xf32> to vector<16xf32>
          %add3A_112 = arith.addf %scan3A_93, %get3A_111 : vector<16xf32>
          %add3A_113 = arith.constant 0 : i32
          %add3A_114 = arith.addi %add3A_99, %add3A_113 : i32
          %add3A_115 = arith.constant 1 : i32
          %add3A_116 = arith.addi %add3A_114, %add3A_115 : i32
          %get3A_117 = arith.index_cast %add3A_116 : i32 to index
          %get3A_118 = arith.constant 0 : index
          %get3A_119 = tpu.vector_load %arg9[%get3A_117, %get3A_118] {strides = array<i32>} : memref<800x32xf32, #tpu.memory_space<vmem>>, vector<1x16xf32>,
          %get3A_120 = vector.shape_cast %get3A_119 : vector<1x16xf32> to vector<16xf32>
          %add3A_121 = arith.addf %scan3A_92, %get3A_120 : vector<16xf32>
          %add3A_122 = arith.constant 0 : i32
          %add3A_123 = arith.addi %add3A_99, %add3A_122 : i32
          %add3A_124 = arith.constant 1 : i32
          %add3A_125 = arith.addi %add3A_123, %add3A_124 : i32
          %get3A_126 = arith.index_cast %add3A_125 : i32 to index
          %get3A_127 = arith.constant 16 : index
          %get3A_128 = tpu.vector_load %arg9[%get3A_126, %get3A_127] {strides = array<i32>} : memref<800x32xf32, #tpu.memory_space<vmem>>, vector<1x16xf32>,
          %get3A_129 = vector.shape_cast %get3A_128 : vector<1x16xf32> to vector<16xf32>
          %add3A_130 = arith.addf %scan3A_94, %get3A_129 : vector<16xf32>
          %add3A_131 = arith.constant 2 : i32
          %add3A_132 = arith.addi %add3A_99, %add3A_131 : i32
          %get3A_133 = arith.index_cast %add3A_132 : i32 to index
          %get3A_134 = arith.constant 0 : index
          %get3A_135 = tpu.vector_load %arg9[%get3A_133, %get3A_134] {strides = array<i32>} : memref<800x32xf32, #tpu.memory_space<vmem>>, vector<1x16xf32>,
          %get3A_136 = vector.shape_cast %get3A_135 : vector<1x16xf32> to vector<16xf32>
          %add3A_137 = arith.addf %add3A_105, %get3A_136 : vector<16xf32>
          %add3A_138 = arith.constant 2 : i32
          %add3A_139 = arith.addi %add3A_99, %add3A_138 : i32
          %get3A_140 = arith.index_cast %add3A_139 : i32 to index
          %get3A_141 = arith.constant 16 : index
          %get3A_142 = tpu.vector_load %arg9[%get3A_140, %get3A_141] {strides = array<i32>} : memref<800x32xf32, #tpu.memory_space<vmem>>, vector<1x16xf32>,
          %get3A_143 = vector.shape_cast %get3A_142 : vector<1x16xf32> to vector<16xf32>
          %add3A_144 = arith.addf %add3A_112, %get3A_143 : vector<16xf32>
          %add3A_145 = arith.constant 2 : i32
          %add3A_146 = arith.addi %add3A_99, %add3A_145 : i32
          %add3A_147 = arith.constant 1 : i32
          %add3A_148 = arith.addi %add3A_146, %add3A_147 : i32
          %get3A_149 = arith.index_cast %add3A_148 : i32 to index
          %get3A_150 = arith.constant 0 : index
          %get3A_151 = tpu.vector_load %arg9[%get3A_149, %get3A_150] {strides = array<i32>} : memref<800x32xf32, #tpu.memory_space<vmem>>, vector<1x16xf32>,
          %get3A_152 = vector.shape_cast %get3A_151 : vector<1x16xf32> to vector<16xf32>
          %add3A_153 = arith.addf %add3A_121, %get3A_152 : vector<16xf32>
          %add3A_154 = arith.constant 2 : i32
          %add3A_155 = arith.addi %add3A_99, %add3A_154 : i32
          %add3A_156 = arith.constant 1 : i32
          %add3A_157 = arith.addi %add3A_155, %add3A_156 : i32
          %get3A_158 = arith.index_cast %add3A_157 : i32 to index
          %get3A_159 = arith.constant 16 : index
          %get3A_160 = tpu.vector_load %arg9[%get3A_158, %get3A_159] {strides = array<i32>} : memref<800x32xf32, #tpu.memory_space<vmem>>, vector<1x16xf32>,
          %get3A_161 = vector.shape_cast %get3A_160 : vector<1x16xf32> to vector<16xf32>
          %add3A_162 = arith.addf %add3A_130, %get3A_161 : vector<16xf32>
          %add3A_163 = arith.constant 4 : i32
          %add3A_164 = arith.addi %add3A_99, %add3A_163 : i32
          %get3A_165 = arith.index_cast %add3A_164 : i32 to index
          %get3A_166 = arith.constant 0 : index
          %get3A_167 = tpu.vector_load %arg9[%get3A_165, %get3A_166] {strides = array<i32>} : memref<800x32xf32, #tpu.memory_space<vmem>>, vector<1x16xf32>,
          %get3A_168 = vector.shape_cast %get3A_167 : vector<1x16xf32> to vector<16xf32>
          %add3A_169 = arith.addf %add3A_137, %get3A_168 : vector<16xf32>
          %add3A_170 = arith.constant 4 : i32
          %add3A_171 = arith.addi %add3A_99, %add3A_170 : i32
          %get3A_172 = arith.index_cast %add3A_171 : i32 to index
          %get3A_173 = arith.constant 16 : index
          %get3A_174 = tpu.vector_load %arg9[%get3A_172, %get3A_173] {strides = array<i32>} : memref<800x32xf32, #tpu.memory_space<vmem>>, vector<1x16xf32>,
          %get3A_175 = vector.shape_cast %get3A_174 : vector<1x16xf32> to vector<16xf32>
          %add3A_176 = arith.addf %add3A_144, %get3A_175 : vector<16xf32>
          %add3A_177 = arith.constant 4 : i32
          %add3A_178 = arith.addi %add3A_99, %add3A_177 : i32
          %add3A_179 = arith.constant 1 : i32
          %add3A_180 = arith.addi %add3A_178, %add3A_179 : i32
          %get3A_181 = arith.index_cast %add3A_180 : i32 to index
          %get3A_182 = arith.constant 0 : index
          %get3A_183 = tpu.vector_load %arg9[%get3A_181, %get3A_182] {strides = array<i32>} : memref<800x32xf32, #tpu.memory_space<vmem>>, vector<1x16xf32>,
          %get3A_184 = vector.shape_cast %get3A_183 : vector<1x16xf32> to vector<16xf32>
          %add3A_185 = arith.addf %add3A_153, %get3A_184 : vector<16xf32>
          %add3A_186 = arith.constant 4 : i32
          %add3A_187 = arith.addi %add3A_99, %add3A_186 : i32
          %add3A_188 = arith.constant 1 : i32
          %add3A_189 = arith.addi %add3A_187, %add3A_188 : i32
          %get3A_190 = arith.index_cast %add3A_189 : i32 to index
          %get3A_191 = arith.constant 16 : index
          %get3A_192 = tpu.vector_load %arg9[%get3A_190, %get3A_191] {strides = array<i32>} : memref<800x32xf32, #tpu.memory_space<vmem>>, vector<1x16xf32>,
          %get3A_193 = vector.shape_cast %get3A_192 : vector<1x16xf32> to vector<16xf32>
          %add3A_194 = arith.addf %add3A_162, %get3A_193 : vector<16xf32>
          %add3A_195 = arith.constant 6 : i32
          %add3A_196 = arith.addi %add3A_99, %add3A_195 : i32
          %get3A_197 = arith.index_cast %add3A_196 : i32 to index
          %get3A_198 = arith.constant 0 : index
          %get3A_199 = tpu.vector_load %arg9[%get3A_197, %get3A_198] {strides = array<i32>} : memref<800x32xf32, #tpu.memory_space<vmem>>, vector<1x16xf32>,
          %get3A_200 = vector.shape_cast %get3A_199 : vector<1x16xf32> to vector<16xf32>
          %add3A_201 = arith.addf %add3A_169, %get3A_200 : vector<16xf32>
          %add3A_202 = arith.constant 6 : i32
          %add3A_203 = arith.addi %add3A_99, %add3A_202 : i32
          %get3A_204 = arith.index_cast %add3A_203 : i32 to index
          %get3A_205 = arith.constant 16 : index
          %get3A_206 = tpu.vector_load %arg9[%get3A_204, %get3A_205] {strides = array<i32>} : memref<800x32xf32, #tpu.memory_space<vmem>>, vector<1x16xf32>,
          %get3A_207 = vector.shape_cast %get3A_206 : vector<1x16xf32> to vector<16xf32>
          %add3A_208 = arith.addf %add3A_176, %get3A_207 : vector<16xf32>
          %add3A_209 = arith.constant 6 : i32
          %add3A_210 = arith.addi %add3A_99, %add3A_209 : i32
          %add3A_211 = arith.constant 1 : i32
          %add3A_212 = arith.addi %add3A_210, %add3A_211 : i32
          %get3A_213 = arith.index_cast %add3A_212 : i32 to index
          %get3A_214 = arith.constant 0 : index
          %get3A_215 = tpu.vector_load %arg9[%get3A_213, %get3A_214] {strides = array<i32>} : memref<800x32xf32, #tpu.memory_space<vmem>>, vector<1x16xf32>,
          %get3A_216 = vector.shape_cast %get3A_215 : vector<1x16xf32> to vector<16xf32>
          %add3A_217 = arith.addf %add3A_185, %get3A_216 : vector<16xf32>
          %add3A_218 = arith.constant 6 : i32
          %add3A_219 = arith.addi %add3A_99, %add3A_218 : i32
          %add3A_220 = arith.constant 1 : i32
          %add3A_221 = arith.addi %add3A_219, %add3A_220 : i32
          %get3A_222 = arith.index_cast %add3A_221 : i32 to index
          %get3A_223 = arith.constant 16 : index
          %get3A_224 = tpu.vector_load %arg9[%get3A_222, %get3A_223] {strides = array<i32>} : memref<800x32xf32, #tpu.memory_space<vmem>>, vector<1x16xf32>,
          %get3A_225 = vector.shape_cast %get3A_224 : vector<1x16xf32> to vector<16xf32>
          %add3A_226 = arith.addf %add3A_194, %get3A_225 : vector<16xf32>
          scf.yield %add3A_201, %add3A_217, %add3A_208, %add3A_226 : vector<16xf32>, vector<16xf32>, vector<16xf32>, vector<16xf32>
        }
        %scan3A_75 = arith.constant 25 : i32
        %mul3A_76 = arith.constant 4 : i32
        %mul3A_77 = arith.muli %add3A_61, %mul3A_76 : i32
        %add3A_78 = arith.addi %mul3A_77, %scan3A_68 : i32
        %add3A_79 = arith.addf %scan3A_74#0, %scan3A_74#1 : vector<16xf32>
        %swap3A = arith.index_cast %add3A_78 : i32 to index
        %swap3A_80 = arith.constant 0 : index
        %swap3A_81 = tpu.vector_load %arg10[%swap3A, %swap3A_80] {strides = array<i32>} : memref<128x32xf32, #tpu.memory_space<vmem>>, vector<1x16xf32>,
        %swap3A_82 = vector.shape_cast %swap3A_81 : vector<1x16xf32> to vector<16xf32>
        %swap3A_83 = vector.shape_cast %add3A_79 : vector<16xf32> to vector<1x16xf32>
        tpu.vector_store %arg10[%swap3A, %swap3A_80], %swap3A_83 {strides = array<i32>} : memref<128x32xf32, #tpu.memory_space<vmem>>, vector<1x16xf32>,
        %add3A_84 = arith.addf %scan3A_74#2, %scan3A_74#3 : vector<16xf32>
        %swap3A_85 = arith.index_cast %add3A_78 : i32 to index
        %swap3A_86 = arith.constant 16 : index
        %swap3A_87 = tpu.vector_load %arg10[%swap3A_85, %swap3A_86] {strides = array<i32>} : memref<128x32xf32, #tpu.memory_space<vmem>>, vector<1x16xf32>,
        %swap3A_88 = vector.shape_cast %swap3A_87 : vector<1x16xf32> to vector<16xf32>
        %swap3A_89 = vector.shape_cast %add3A_84 : vector<16xf32> to vector<1x16xf32>
        tpu.vector_store %arg10[%swap3A_85, %swap3A_86], %swap3A_89 {strides = array<i32>} : memref<128x32xf32, #tpu.memory_space<vmem>>, vector<1x16xf32>,
      }
      %scan3A_67 = arith.constant 4 : i32
    }
    %scan3A_26 = arith.constant 16 : i32
    %run_scoped3A_27 = arith.constant 1 : i32
    "tpu.region"() ({
      %run_scoped3A_28 = tpu.sem_alloc : memref<!tpu.dma_semaphore, #tpu.memory_space<semaphore_mem>>
      %dma_start3A_29 = arith.constant 0 : i32
      %dma_start3A_30 = tpu.memref_slice %arg6[%run_scoped3A_27, %mul3A_2, %dma_start3A_29] : memref<2x4096x32xf32, #tpu.memory_space<hbm>> -> memref<1x128x32xf32, #tpu.memory_space<hbm>>
      %dma_start3A_31 = tpu.memref_squeeze %dma_start3A_30 : memref<1x128x32xf32, #tpu.memory_space<hbm>> -> memref<128x32xf32, #tpu.memory_space<hbm>>
      %dma_start3A_32 = arith.constant 0 : i32
      %dma_start3A_33 = tpu.memref_slice %arg6[%run_scoped3A_27, %mul3A_2, %dma_start3A_32] : memref<2x4096x32xf32, #tpu.memory_space<hbm>> -> memref<1x128x32xf32, #tpu.memory_space<hbm>>
      %dma_start3A_34 = tpu.memref_squeeze %dma_start3A_33 : memref<1x128x32xf32, #tpu.memory_space<hbm>> -> memref<128x32xf32, #tpu.memory_space<hbm>>
      tpu.enqueue_dma source(%arg10 : memref<128x32xf32, #tpu.memory_space<vmem>>) target(%dma_start3A_34 : memref<128x32xf32, #tpu.memory_space<hbm>>) target_semaphore(%run_scoped3A_28 : memref<!tpu.dma_semaphore, #tpu.memory_space<semaphore_mem>>)
      %dma_wait3A = arith.constant 0 : i32
      %dma_wait3A_35 = tpu.memref_slice %arg6[%run_scoped3A_27, %mul3A_2, %dma_wait3A] : memref<2x4096x32xf32, #tpu.memory_space<hbm>> -> memref<1x128x32xf32, #tpu.memory_space<hbm>>
      %dma_wait3A_36 = tpu.memref_squeeze %dma_wait3A_35 : memref<1x128x32xf32, #tpu.memory_space<hbm>> -> memref<128x32xf32, #tpu.memory_space<hbm>>
      %dma_wait3A_37 = arith.constant 0 : i32
      %dma_wait3A_38 = tpu.memref_slice %arg6[%run_scoped3A_27, %mul3A_2, %dma_wait3A_37] : memref<2x4096x32xf32, #tpu.memory_space<hbm>> -> memref<1x128x32xf32, #tpu.memory_space<hbm>>
      %dma_wait3A_39 = tpu.memref_squeeze %dma_wait3A_38 : memref<1x128x32xf32, #tpu.memory_space<hbm>> -> memref<128x32xf32, #tpu.memory_space<hbm>>
      tpu.wait_dma2 semaphore(%run_scoped3A_28 : memref<!tpu.dma_semaphore, #tpu.memory_space<semaphore_mem>>) src(%arg10 : memref<128x32xf32, #tpu.memory_space<vmem>>) dst(%dma_wait3A_39 : memref<128x32xf32, #tpu.memory_space<hbm>>)
      tpu.yield
    }) : () -> ()
    return
  }
}

module attributes {stable_mosaic.version = 14 : i64} {
  func.func @body(%arg0: memref<4096x32xf32, #tpu.memory_space<vmem>>, %arg1: memref<4096x32xf32, #tpu.memory_space<vmem>>, %arg2: memref<32x32xf32, #tpu.memory_space<vmem>>, %arg3: memref<1x32xf32, #tpu.memory_space<vmem>>, %arg4: memref<32x32xf32, #tpu.memory_space<vmem>>, %arg5: memref<1x32xf32, #tpu.memory_space<vmem>>, %arg6: memref<4096xf32, #tpu.memory_space<vmem>>) attributes {dimension_semantics = [], scalar_prefetch = 0 : i64, scratch_operands = 0 : i64, tpu.core_type = #tpu.core_type<tc>} {
    %get3A = arith.constant 0 : index
    %get3A_0 = arith.constant 0 : index
    %get3A_1 = vector.load %arg0[%get3A, %get3A_0] : memref<4096x32xf32, #tpu.memory_space<vmem>>, vector<4096x32xf32>
    %mul3A = arith.constant 5.000000e-03 : f32
    %mul3A_2 = vector.broadcast %mul3A : f32 to vector<4096x32xf32>
    %mul3A_3 = arith.mulf %get3A_1, %mul3A_2 : vector<4096x32xf32>
    %get3A_4 = arith.constant 0 : index
    %get3A_5 = arith.constant 0 : index
    %get3A_6 = vector.load %arg2[%get3A_4, %get3A_5] : memref<32x32xf32, #tpu.memory_space<vmem>>, vector<32x32xf32>
    %dot_general3A = arith.constant dense<0.000000e+00> : vector<4096x32xf32>
    %dot_general3A_7 = tpu.matmul %mul3A_3, %get3A_6, %dot_general3A {dimension_numbers = #tpu.dot_dimension_numbers<[1], [0], [0], [1], [0, 0, 1, 1], [], []>, transpose_lhs_hint = false} : vector<4096x32xf32>, vector<32x32xf32>, vector<4096x32xf32> -> vector<4096x32xf32>
    %get3A_8 = arith.constant 0 : index
    %get3A_9 = arith.constant 0 : index
    %get3A_10 = vector.load %arg3[%get3A_8, %get3A_9] : memref<1x32xf32, #tpu.memory_space<vmem>>, vector<1x32xf32>
    %add3A = vector.broadcast %get3A_10 : vector<1x32xf32> to vector<4096x32xf32>
    %add3A_11 = arith.addf %dot_general3A_7, %add3A : vector<4096x32xf32>
    %max3A = arith.constant 0.000000e+00 : f32
    %max3A_12 = vector.broadcast %max3A : f32 to vector<4096x32xf32>
    %max3A_13 = arith.maximumf %add3A_11, %max3A_12 : vector<4096x32xf32>
    %get3A_14 = arith.constant 0 : index
    %get3A_15 = arith.constant 0 : index
    %get3A_16 = vector.load %arg4[%get3A_14, %get3A_15] : memref<32x32xf32, #tpu.memory_space<vmem>>, vector<32x32xf32>
    %dot_general3A_17 = arith.constant dense<0.000000e+00> : vector<4096x32xf32>
    %dot_general3A_18 = tpu.matmul %max3A_13, %get3A_16, %dot_general3A_17 {dimension_numbers = #tpu.dot_dimension_numbers<[1], [0], [0], [1], [0, 0, 1, 1], [], []>, transpose_lhs_hint = false} : vector<4096x32xf32>, vector<32x32xf32>, vector<4096x32xf32> -> vector<4096x32xf32>
    %get3A_19 = arith.constant 0 : index
    %get3A_20 = arith.constant 0 : index
    %get3A_21 = vector.load %arg5[%get3A_19, %get3A_20] : memref<1x32xf32, #tpu.memory_space<vmem>>, vector<1x32xf32>
    %add3A_22 = vector.broadcast %get3A_21 : vector<1x32xf32> to vector<4096x32xf32>
    %add3A_23 = arith.addf %dot_general3A_18, %add3A_22 : vector<4096x32xf32>
    %mul3A_24 = arith.mulf %add3A_23, %add3A_23 : vector<4096x32xf32>
    %reduce_sum3A = arith.constant dense<0.000000e+00> : vector<4096xf32>
    %reduce_sum3A_25 = vector.multi_reduction <add>, %mul3A_24, %reduce_sum3A [1] : vector<4096x32xf32> to vector<4096xf32>
    %broadcast_in_dim3A = vector.shape_cast %reduce_sum3A_25 : vector<4096xf32> to vector<4096x1xf32>
    %sqrt3A = math.sqrt %broadcast_in_dim3A : vector<4096x1xf32>
    %max3A_26 = arith.constant 9.99999996E-13 : f32
    %max3A_27 = vector.broadcast %max3A_26 : f32 to vector<4096x1xf32>
    %max3A_28 = arith.maximumf %sqrt3A, %max3A_27 : vector<4096x1xf32>
    %div3A = vector.broadcast %max3A_28 : vector<4096x1xf32> to vector<4096x32xf32>
    %div3A_29 = arith.divf %add3A_23, %div3A : vector<4096x32xf32>
    %get3A_30 = arith.constant 0 : index
    %get3A_31 = arith.constant 0 : index
    %get3A_32 = vector.load %arg1[%get3A_30, %get3A_31] : memref<4096x32xf32, #tpu.memory_space<vmem>>, vector<4096x32xf32>
    %mul3A_33 = arith.constant 5.000000e-03 : f32
    %mul3A_34 = vector.broadcast %mul3A_33 : f32 to vector<4096x32xf32>
    %mul3A_35 = arith.mulf %get3A_32, %mul3A_34 : vector<4096x32xf32>
    %get3A_36 = arith.constant 0 : index
    %get3A_37 = arith.constant 0 : index
    %get3A_38 = vector.load %arg2[%get3A_36, %get3A_37] : memref<32x32xf32, #tpu.memory_space<vmem>>, vector<32x32xf32>
    %dot_general3A_39 = arith.constant dense<0.000000e+00> : vector<4096x32xf32>
    %dot_general3A_40 = tpu.matmul %mul3A_35, %get3A_38, %dot_general3A_39 {dimension_numbers = #tpu.dot_dimension_numbers<[1], [0], [0], [1], [0, 0, 1, 1], [], []>, transpose_lhs_hint = false} : vector<4096x32xf32>, vector<32x32xf32>, vector<4096x32xf32> -> vector<4096x32xf32>
    %get3A_41 = arith.constant 0 : index
    %get3A_42 = arith.constant 0 : index
    %get3A_43 = vector.load %arg3[%get3A_41, %get3A_42] : memref<1x32xf32, #tpu.memory_space<vmem>>, vector<1x32xf32>
    %add3A_44 = vector.broadcast %get3A_43 : vector<1x32xf32> to vector<4096x32xf32>
    %add3A_45 = arith.addf %dot_general3A_40, %add3A_44 : vector<4096x32xf32>
    %max3A_46 = arith.constant 0.000000e+00 : f32
    %max3A_47 = vector.broadcast %max3A_46 : f32 to vector<4096x32xf32>
    %max3A_48 = arith.maximumf %add3A_45, %max3A_47 : vector<4096x32xf32>
    %get3A_49 = arith.constant 0 : index
    %get3A_50 = arith.constant 0 : index
    %get3A_51 = vector.load %arg4[%get3A_49, %get3A_50] : memref<32x32xf32, #tpu.memory_space<vmem>>, vector<32x32xf32>
    %dot_general3A_52 = arith.constant dense<0.000000e+00> : vector<4096x32xf32>
    %dot_general3A_53 = tpu.matmul %max3A_48, %get3A_51, %dot_general3A_52 {dimension_numbers = #tpu.dot_dimension_numbers<[1], [0], [0], [1], [0, 0, 1, 1], [], []>, transpose_lhs_hint = false} : vector<4096x32xf32>, vector<32x32xf32>, vector<4096x32xf32> -> vector<4096x32xf32>
    %get3A_54 = arith.constant 0 : index
    %get3A_55 = arith.constant 0 : index
    %get3A_56 = vector.load %arg5[%get3A_54, %get3A_55] : memref<1x32xf32, #tpu.memory_space<vmem>>, vector<1x32xf32>
    %add3A_57 = vector.broadcast %get3A_56 : vector<1x32xf32> to vector<4096x32xf32>
    %add3A_58 = arith.addf %dot_general3A_53, %add3A_57 : vector<4096x32xf32>
    %mul3A_59 = arith.mulf %add3A_58, %add3A_58 : vector<4096x32xf32>
    %reduce_sum3A_60 = arith.constant dense<0.000000e+00> : vector<4096xf32>
    %reduce_sum3A_61 = vector.multi_reduction <add>, %mul3A_59, %reduce_sum3A_60 [1] : vector<4096x32xf32> to vector<4096xf32>
    %broadcast_in_dim3A_62 = vector.shape_cast %reduce_sum3A_61 : vector<4096xf32> to vector<4096x1xf32>
    %sqrt3A_63 = math.sqrt %broadcast_in_dim3A_62 : vector<4096x1xf32>
    %max3A_64 = arith.constant 9.99999996E-13 : f32
    %max3A_65 = vector.broadcast %max3A_64 : f32 to vector<4096x1xf32>
    %max3A_66 = arith.maximumf %sqrt3A_63, %max3A_65 : vector<4096x1xf32>
    %div3A_67 = vector.broadcast %max3A_66 : vector<4096x1xf32> to vector<4096x32xf32>
    %div3A_68 = arith.divf %add3A_58, %div3A_67 : vector<4096x32xf32>
    %mul3A_69 = arith.mulf %div3A_29, %div3A_29 : vector<4096x32xf32>
    %reduce_sum3A_70 = arith.constant dense<0.000000e+00> : vector<4096xf32>
    %reduce_sum3A_71 = vector.multi_reduction <add>, %mul3A_69, %reduce_sum3A_70 [1] : vector<4096x32xf32> to vector<4096xf32>
    %sqrt3A_72 = math.sqrt %reduce_sum3A_71 : vector<4096xf32>
    %mul3A_73 = arith.mulf %div3A_68, %div3A_68 : vector<4096x32xf32>
    %reduce_sum3A_74 = arith.constant dense<0.000000e+00> : vector<4096xf32>
    %reduce_sum3A_75 = vector.multi_reduction <add>, %mul3A_73, %reduce_sum3A_74 [1] : vector<4096x32xf32> to vector<4096xf32>
    %sqrt3A_76 = math.sqrt %reduce_sum3A_75 : vector<4096xf32>
    %mul3A_77 = arith.mulf %div3A_29, %div3A_68 : vector<4096x32xf32>
    %reduce_sum3A_78 = arith.constant dense<0.000000e+00> : vector<4096xf32>
    %reduce_sum3A_79 = vector.multi_reduction <add>, %mul3A_77, %reduce_sum3A_78 [1] : vector<4096x32xf32> to vector<4096xf32>
    %mul3A_80 = arith.mulf %sqrt3A_72, %sqrt3A_76 : vector<4096xf32>
    %max3A_81 = arith.constant 9.99999993E-9 : f32
    %max3A_82 = vector.broadcast %max3A_81 : f32 to vector<4096xf32>
    %max3A_83 = arith.maximumf %mul3A_80, %max3A_82 : vector<4096xf32>
    %div3A_84 = arith.divf %reduce_sum3A_79, %max3A_83 : vector<4096xf32>
    %swap3A = arith.constant 0 : index
    %swap3A_85 = vector.load %arg6[%swap3A] : memref<4096xf32, #tpu.memory_space<vmem>>, vector<4096xf32>
    tpu.vector_store %arg6[%swap3A], %div3A_84 {strides = array<i32>} : memref<4096xf32, #tpu.memory_space<vmem>>, vector<4096xf32>,
    return
  }
}

</mosaic_0001>

<sc_bundles>
// kernel: kernel.4.cloned.1.call-start
scs
__scs_entry_jumppad:
0x0: {  	(pc) =	sbr.rel $0x88, $3  }
0x1: {  	(tag) =	ssettag $0x0;
	lr =	simm.s32 $0x1  }
0x2: {  	[smem:$0x3F98] =	sst lr;
	_ =	strace $0xD0000000  }
0x3: {  	_ = 	snop  }
0x4: {  	_ = 	snop  }
0x5: {  	_ = 	snop  }
0x6: {  	_ = 	snop  }
0x7: {  	_ = 	snop  }
__scs_overlays_trampoline_lowered:
0x8: {  	[smem:$0x3FA7] =	sst s0  }
0x9: {  	[smem:$0x3FA8] =	sst s1  }
0xa: {  	[smem:$0x3FA9] =	sst s2  }
0xb: {  	[smem:$0x3FAA] =	sst s3  }
0xc: {  	[smem:$0x3FAB] =	sst s4  }
0xd: {  	[smem:$0x3FAC] =	sst s5  }
0xe: {  	[smem:$0x3FAD] =	sst s6  }
0xf: {  	[smem:$0x3FAE] =	sst s7  }
0x10: {  	[smem:$0x3FAF] =	sst s8  }
0x11: {  	[smem:$0x3FB0] =	sst s9;
	s0 =	simm.s32 @!p0 $0x0  }
0x12: {  	s1 =	sld [smem:$0x3F96];
	s0 =	simm.s32 @p0 $0x1  }
0x13: {  	[smem:$0x3FB1] =	sst s0;
	s0 =	simm.s32 @!p1 $0x0  }
0x14: {  	s2 =	sld [smem:$0x3F95];
	s0 =	simm.s32 @p1 $0x1  }
0x15: {  	[smem:$0x3FB2] =	sst s0;
	s0 =	simm.s32 @!p2 $0x0  }
0x16: {  	s3 =	sld [smem:$0x3FDB];
	s0 =	simm.s32 @p2 $0x1  }
0x17: {  	s4 =	simm.s32 $0x1BF5;
	[smem:$0x3FB4] =	sst s0  }
0x18: {  	s0 =	sld [smem:$0x3F97];
	_ =	swait.ge [sflag:s4], $0x0  }
0x19: {  	s7 =	sld [smem:$0x3F98]  }
0x1a: {  	s8 =	sadd.s32 $0xFFFFE003, lr  }
0x1b: {  	s9 =	sadd.s32 $0xFFFFFEF7, lr;
	s5 =	simm.s32 $0xFFFFFFFF;
	p2 =	slt.u32 s8, $0xFFFFF086  }
0x1c: {  	p1 =	slt.u32 s9, $0xF7A;
	s5 =	simm.s32 @!p2 $0x0  }
0x1d: {  	s5 =	simm.s32 @p1 $0x1;
	p0 =	seq.s32 s7, s2  }
0x1e: {  	s7 =	smul.u32 @!p0 $0xF7A, s2;
	p2 =	seq.s32 @!p0 s5, $0x0  }
0x1f: {  	s9 =	smul.u32 $0xF7A, s1;
	s8 =	simm.s32 @!p0 $0x1BF5;
	p2 =	por !p2, p0  }
0x20: {  	[sflag:s8] =	ssyncset.s32 @!p0 $0xFFFFF086;
	s6 =	sadd.s32 @!p0 s3, s7;
	s7 =	simm.s32 @!p0 $0x108  }
0x21: {  	s3 =	sadd.s32 s3, s9;
	s6 =	sadd.s32 @!p0 $0x88, s6;
	s7 =	simm.s32 @p2 $0x1082  }
0x22: {  	[simem:s7], [sflag:s8] =	dma.local @!p0 [hbm:s6], $0xF7A  }
0x23: {  	s9 =	sor.u32 $0xD0000000, s2;
	s6 =	simm.s32 $0x108;
	_ =	swait.ge @!p0 [sflag:s8], $0x0  }
0x24: {  	s3 =	sadd.s32 $0x88, s3;
	s6 =	simm.s32 @!p1 $0x1082;
	[sflag:s4] =	ssyncset.s32 $0xFFFFF086  }
0x25: {  	[simem:s6], [sflag:s4] =	dma.local [hbm:s3], $0xF7A  }
0x26: {  	[smem:$0x3F98] =	sst s1;
	(tag) =	ssettag s2;
	_ =	strace s9  }
0x27: {  	s1 =	sld [smem:$0x3FA8]  }
0x28: {  	s2 =	sld [smem:$0x3FA9]  }
0x29: {  	s4 =	sld [smem:$0x3FAB]  }
0x2a: {  	p0 =	seq.s32 s5, $0x0;
	s5 =	sld [smem:$0x3FAC]  }
0x2b: {  	s6 =	sld [smem:$0x3FAD]  }
0x2c: {  	s7 =	sld [smem:$0x3FAE]  }
0x2d: {  	s3 =	simm.s32 $0x108;
	s8 =	sld [smem:$0x3FAF]  }
0x2e: {  	s3 =	simm.s32 @!p0 $0x1082;
	s9 =	sld [smem:$0x3FB0]  }
0x2f: {  	lr =	sadd.s32 s0, s3;
	s0 =	sld [smem:$0x3FA7]  }
0x30: {  	s3 =	sld [smem:$0x3FAA]  }
0x31: {  	[smem:$0x3FB3] =	sst s10  }
0x32: {  	s10 =	sld [smem:$0x3FB1];
	_ =	sdelay $0x3  }
0x33: {  	p0 =	seq.s32 s10, $0x1;
	s10 =	sld [smem:$0x3FB3];
	_ =	sdelay $0x3  }
0x34: {  	[smem:$0x3FB3] =	sst s10  }
0x35: {  	s10 =	sld [smem:$0x3FB2];
	_ =	sdelay $0x3  }
0x36: {  	p1 =	seq.s32 s10, $0x1;
	s10 =	sld [smem:$0x3FB3];
	_ =	sdelay $0x3  }
0x37: {  	[smem:$0x3FB3] =	sst s10  }
0x38: {  	s10 =	sld [smem:$0x3FB4]  }
0x39: {  	_ = 	snop;
	(pc) =	sbr.ind lr, $3  }
0x3a: {  	_ = 	snop  }
0x3b: {  	_ = 	snop  }
0x3c: {  	p2 =	seq.s32 s10, $0x1;
	s10 =	sld [smem:$0x3FB3]  }
0x3d: {  	_ =	shalt  }
0x3e: {  	_ =	shalt  }
0x3f: {  	_ =	shalt  }
0x40: {  	_ =	shalt  }
0x41: {  	_ =	shalt  }
0x42: {  	_ =	shalt  }
0x43: {  	_ =	shalt  }
0x44: {  	_ =	shalt  }
0x45: {  	_ =	shalt  }
0x46: {  	_ =	shalt  }
0x47: {  	_ =	shalt  }
0x48: {  	_ =	shalt  }
0x49: {  	_ =	shalt  }
0x4a: {  	_ =	shalt  }
0x4b: {  	_ =	shalt  }
0x4c: {  	_ =	shalt  }
0x4d: {  	_ =	shalt  }
0x4e: {  	_ =	shalt  }
0x4f: {  	_ =	shalt  }
0x50: {  	_ =	shalt  }
0x51: {  	_ =	shalt  }
0x52: {  	_ =	shalt  }
0x53: {  	_ =	shalt  }
0x54: {  	_ =	shalt  }
0x55: {  	_ =	shalt  }
0x56: {  	_ =	shalt  }
0x57: {  	_ =	shalt  }
0x58: {  	_ =	shalt  }
0x59: {  	_ =	shalt  }
0x5a: {  	_ =	shalt  }
0x5b: {  	_ =	shalt  }
0x5c: {  	_ =	shalt  }
0x5d: {  	_ =	shalt  }
0x5e: {  	_ =	shalt  }
0x5f: {  	_ =	shalt  }
0x60: {  	_ =	shalt  }
0x61: {  	_ =	shalt  }
0x62: {  	_ =	shalt  }
0x63: {  	_ =	shalt  }
0x64: {  	_ =	shalt  }
0x65: {  	_ =	shalt  }
0x66: {  	_ =	shalt  }
0x67: {  	_ =	shalt  }
0x68: {  	_ =	shalt  }
0x69: {  	_ =	shalt  }
0x6a: {  	_ =	shalt  }
0x6b: {  	_ =	shalt  }
0x6c: {  	_ =	shalt  }
0x6d: {  	_ =	shalt  }
0x6e: {  	_ =	shalt  }
0x6f: {  	_ =	shalt  }
0x70: {  	_ =	shalt  }
0x71: {  	_ =	shalt  }
0x72: {  	_ =	shalt  }
0x73: {  	_ =	shalt  }
0x74: {  	_ =	shalt  }
0x75: {  	_ =	shalt  }
0x76: {  	_ =	shalt  }
0x77: {  	_ =	shalt  }
0x78: {  	_ =	shalt  }
0x79: {  	_ =	shalt  }
0x7a: {  	_ =	shalt  }
0x7b: {  	_ =	shalt  }
0x7c: {  	_ =	shalt  }
0x7d: {  	_ =	shalt  }
0x7e: {  	_ =	shalt  }
0x7f: {  	_ =	shalt  }
0x80: {  	_ =	shalt  }
0x81: {  	_ =	shalt  }
0x82: {  	_ =	shalt  }
0x83: {  	_ =	shalt  }
0x84: {  	_ =	shalt  }
0x85: {  	_ =	shalt  }
0x86: {  	_ =	shalt  }
0x87: {  	_ =	shalt  }
.Lfunc_end0:
.L_simem_size_0:
called_computation_lowered:
.L_overlay_start_0:
0x88: {  	s2 =	sld [smem:$0x3FD9]  }
0x89: {  	s3 =	sld [smem:$0x3FFE];
	_ =	sdelay $0x1  }
0x8a: {  	s1 =	srdreg.scid  }
0x8b: {  	s0 =	sand.u32 $0x1, s1  }
0x8c: {  	s16 =	sshll.u32 s0, $0xA;
	s2 =	sadd.s32 s3, s2  }
0x8d: {  	s2 =	sadd.s32 s2, s16  }
0x8e: {  	[smem:$0x3FBF] =	sst s2  }
0x8f: {  	_ = 	snop  }
0x90: {  	(tm) =	ssettm $0x1  }
0x91: {  	s17 =	sld [smem:$0x3FFB];
	_ =	sdelay $0x3  }
0x92: {  	_ =	strace s17  }
0x93: {  	s2 =	sld [smem:$0x3FFC];
	_ =	sdelay $0x3  }
0x94: {  	_ =	strace s2  }
0x95: {  	s2 =	sld [smem:$0x3FFD];
	_ =	sdelay $0x3  }
0x96: {  	_ =	strace s2  }
0x97: {  	_ =	strace $0x8FFFFFFF  }
0x98: {  	s18 =	sld [smem:$0x3FDB];
	_ =	sdelay $0x1  }
0x99: {  	s19 =	simm.s32 $_scs_section_size  }
0x9a: {  	s4 =	simm.s32 $_size__tile_overlayer_lowered;
	s5 =	simm.s32 $_tile_overlayer_lowered  }
0x9b: {  	s22 =	simm.s32 $0x1BFF;
	s21 =	sshll.u32 s5, $0x1;
	s2 =	sadd.s32 s19, s18  }
0x9c: {  	s6 =	simm.s32 $0x0;
	s20 =	sshll.u32 s4, $0x1;
	s4 =	sadd.s32 s21, s2  }
0x9d: {  	[timem:s6], [sflag:s22] =	dma.local [hbm:s4], s20  }
0x9e: {  	_ =	swait.ge [sflag:s22], s20  }
0x9f: {  	s3 =	ssub.s32 $0x0, s20;
	[sflag:s22] =	ssyncset.done $0x0  }
0xa0: {  	[sflag:s22] =	ssyncadd.s32 s3;
	_ =	sdelay $0x1  }
0xa1: {  	s23 =	simm.s32 $0x1B8B  }
0xa2: {  	_ =	swait.ge [sflag:s23], $0x1  }
0xa3: {  	[sflag:s23] =	ssyncset.done $0x0  }
0xa4: {  	s25 =	simm.s32 $0x1B8E;
	s24 =	sld [smem:$0x3FFE];
	[sflag:s23] =	ssyncadd.s32 $0xFFFFFFFF  }
0xa5: {  	s26 =	simm.s32 $execute0_lowered;
	[smem:$0x3FD2] =	sst s25  }
0xa6: {  	s4 =	sshll.u32 s26, $0x1;
	_ =	strace $0x80000046;
	[dreg:$0x1] =	wrdreg $0xFFFFFFFF  }
0xa7: {  	s28 =	simm.s32 $_size_execute0_lowered;
	s2 =	sadd.s32 s2, s4;
	[dreg:$0x0] =	wrdreg $0x0  }
0xa8: {  	s4 =	sshll.u32 s28, $0x1;
	[dreg:$0x2] =	wrdreg s2  }
0xa9: {  	[dreg:$0x3] =	wrdreg s4  }
0xaa: {  	[dreg:$0x4] =	wrdreg $0xC0  }
0xab: {  	_ =	task [dreg:s6], $0x5FFFF  }
0xac: {  	[dreg:$0x1] =	wrdreg $0xFFFFFFFF  }
0xad: {  	[dreg:$0x0] =	wrdreg $0x60  }
0xae: {  	[dreg:$0x2] =	wrdreg s24  }
0xaf: {  	[dreg:$0x3] =	wrdreg $0x9  }
0xb0: {  	_ =	task.clear_ibuf [dreg:s6], $0x4FFFF;
	_ =	strace $0x90000046  }
0xb1: {  	s29 =	simm.s32 $0x9;
	_ =	strace $0x80000048  }
0xb2: {  	_ =	swait.ge [sflag:s29], $0x1  }
0xb3: {  	[sflag:s29] =	ssyncadd.s32 $0xFFFFFFFF  }
0xb4: {  	_ =	strace $0x90000048  }
0xb5: {  	_ =	sfence  }
0xb6: {  	s30 =	sld [smem:$0x0];
	_ =	sdelay $0x2  }
0xb7: {  	s31 =	sshll.u32 s1, $0xD;
	s1 =	sshrl.u32 s1, $0x2  }
0xb8: {  	s3 =	sand.u32 $0x4000, s31;
	s1 =	sadd.s32 s1, s30  }
0xb9: {  	s0 =	sor.u32 s3, s0;
	s1 =	sshll.u32 s1, $0x11  }
0xba: {  	s0 =	sor.u32 s1, s0  }
0xbb: {  	s0 =	sadd.s32 $0x8F2B, s0  }
0xbc: {  	[sflag:s0] =	ssyncadd.remote.s32 $0x1  }
0xbd: {  	_ =	sfence.sel $0xFFFF  }
0xbe: {  	[dreg:$0x0] =	wrdreg $0xFFFFFFFF;
	(pc) =	sbr.abs _section_cstart, $3  }
0xbf: {  	[dreg:$0x1] =	wrdreg $0xFFFFFFFF  }
0xc0: {  	_ =	task.clear_ibuf [dreg:s6], $0x2FFFF;
	_ =	strace $0x9FFFFFFF  }
0xc1: {  	(tm) =	ssettm $0x7FFFFFFF  }
tec
execute0_lowered:
.L_overlay_start_1:
0x0: {  	(tag) =	ssettag $0x1  }
0x1: {  	s1 =	srdreg.scid;
	s0 =	stileid.u32  }
0x2: {  	s5 =	rddreg [dreg:$0x0];
	s2 =	simm.s32 $0x0;
	s11 =	simm.s32 $0x320  }
0x3: {  	s12 =	simm.s32 $0x6400;
	s13 =	simm.s32 $0xC800;
	s14 =	simm.s32 $0x1  }
0x4: {  	s15 =	simm.s32 $0x2;
	s16 =	simm.s32 $0x12C00;
	s17 =	simm.s32 $0x0  }
0x5: {  	s4 =	sand.u32 $0x1, s1;
	s3 =	sshll.u32 s0, $0x1;
	[smem:$0x7FF] =	sst s2  }
0x6: {  	s1 =	rddreg [dreg:$0x1];
	s6 =	sor.u32 s4, s3;
	_ =	strace $0x80000047  }
0x7: {  	s8 =	ssub.s32 $0x2, s4;
	s3 =	smul.u32 $0xC80, s6;
	s6 =	sshll.u32 s6, $0x9  }
0x8: {  	s4 =	sadd.s32 $0x1345E00, s5;
	s9 =	sshrl.u32 s8, $0x1;
	s10 =	sadd.s32 s6, s5  }
0x9: {  	s9 =	ssub.s32 s8, s9;
	s7 =	sadd.s32 s3, s5;
	s3 =	sadd.s32 $0xF75400, s5  }
0xa: {  	s6 =	sadd.s32 $0x33000, s10;
	s8 =	sadd.s32 $0x37000, s10;
	s9 =	smax.u32 s9, $0x1  }
0xb: {  	s10 =	simm.s32 $0x3;
	s5 =	sadd.s32 $0x1A000, s7;
	s7 =	sadd.s32 $0x1000, s7  }
.LBB2_1:
0xc: {  	[tilespmem:s2], [sflag:$0x3] =	stream.linear.gather [hbm4b:s5+s2], $0x6400, $0x38;
	[tilespmem:$0x13C00] =	vst v63  }
0xd: {  	_ =	swait.ge [sflag:s10], $0x6400  }
0xe: {  	[sflag:s10] =	ssyncset.done $0x0  }
0xf: {  	s18 =	simm.s32 $0x0;
	[sflag:s10] =	ssyncadd.s32 $0xFFFF9C00  }
0x10: {  	[tilespmem:s12], [sflag:$0x1] =	stream.indirect.gather [hbm4b:s3+s11], $0x20, s2, s11, $0xb8;
	[tilespmem:$0x13C00] =	vst v63  }
.LBB2_2:
0x11: {  	s19 =	sshllo.u32 s18, $0x1  }
0x12: {  	s20 =	smul.u32 $0xC80, s19;
	_ =	sdelay $0x1  }
0x13: {  	s31 =	sshll.u32 s18, $0x8;
	s20 =	sshra.s32 s20, $0x2  }
0x14: {  	[tilespmem:s13], [sflag:$0x2] =	stream.indirect.gather [hbm4b:s3+s11], $0x20, s20, s11, $0xb8;
	[tilespmem:$0x13C00] =	vst v63  }
0x15: {  	s20 =	sand.u32 $0x3FFFFF00, s31;
	_ =	swait.ge [sflag:s14], $0x6400  }
0x16: {  	s22 =	sadd.s32 $0x12C00, s20;
	[sflag:s14] =	ssyncset.done $0x0  }
0x17: {  	s21 =	simm.s32 $0x6480;
	s20 =	simm.s32 $0x0;
	v0 =	vmov s22;
	[sflag:s14] =	ssyncadd.s32 $0xFFFF9C00  }
.LBB2_3:
0x18: {  	v1 =	vmov s21;
	_ =	sdelay $0x3  }
0x19: {  	s22 =	simm.s32 $0x0  }
0x1a: {  	v4 =	vld.idx.msk [tilespmem:v1+s22+$0x40 ss:$0x1], $0xffff  }
0x1b: {  	v5 =	vld.idx.msk [tilespmem:v1+s22+$0x50 ss:$0x1], $0xffff  }
0x1c: {  	v2 =	vld.idx.msk [tilespmem:v1+s22+$0x0 ss:$0x1], $0xffff  }
0x1d: {  	v3 =	vld.idx.msk [tilespmem:v1+s22+$0x10 ss:$0x1], $0xffff  }
0x1e: {  	v6 =	vld.idx.msk [tilespmem:v1+s22+$0xFFFFFFC0 ss:$0x1], $0xffff  }
0x1f: {  	v7 =	vld.idx.msk [tilespmem:v1+s22+$0xFFFFFFD0 ss:$0x1], $0xffff  }
0x20: {  	v12 =	vld.idx.msk [tilespmem:v1+s22+$0xFFFFFF80 ss:$0x1], $0xffff  }
0x21: {  	v8 =	vimm.f32 $0.0e+00;
	v13 =	vld.idx.msk [tilespmem:v1+s22+$0xFFFFFF90 ss:$0x1], $0xffff  }
0x22: {  	s23 =	simm.s32 $0x400;
	v9 =	vimm.f32 $0.0e+00;
	v11 =	vimm.f32 $0.0e+00;
	v10 =	vimm.f32 $0.0e+00;
	v14 =	vld.idx.msk [tilespmem:v1+s22+$0xFFFFFFA0 ss:$0x1], $0xffff  }
.LBB2_4:
0x23: {  	p0 =	sne.s32 s23, $0x6000;
	v15 =	vld.idx.msk [tilespmem:v1+s22+$0xFFFFFFB0 ss:$0x1], $0xffff  }
0x24: {  	v16 =	vld.idx.msk [tilespmem:v1+s22+$0xFFFFFFE0 ss:$0x1], $0xffff  }
0x25: {  	v17 =	vld.idx.msk [tilespmem:v1+s22+$0xFFFFFFF0 ss:$0x1], $0xffff  }
0x26: {  	v18 =	vld.idx.msk [tilespmem:v1+s22+$0x20 ss:$0x1], $0xffff  }
0x27: {  	v19 =	vld.idx.msk [tilespmem:v1+s22+$0x30 ss:$0x1], $0xffff  }
0x28: {  	v8 =	vadd.f32 v12, v8;
	v9 =	vadd.f32 v13, v9;
	v12 =	vld.idx.msk [tilespmem:v1+s22+$0x60 ss:$0x1], $0xffff  }
0x29: {  	v11 =	vadd.f32 v14, v11;
	v10 =	vadd.f32 v15, v10;
	v13 =	vld.idx.msk [tilespmem:v1+s22+$0x70 ss:$0x1], $0xffff;
	s22 =	sshra.s32 s23, $0x2  }
0x2a: {  	v6 =	vadd.f32 v6, v8;
	v7 =	vadd.f32 v7, v9;
	v14 =	vld.idx.msk [tilespmem:v1+s22+$0x40 ss:$0x1], $0xffff  }
0x2b: {  	v8 =	vadd.f32 v16, v11;
	v9 =	vadd.f32 v17, v10;
	v15 =	vld.idx.msk [tilespmem:v1+s22+$0x50 ss:$0x1], $0xffff  }
0x2c: {  	v10 =	vadd.f32 v2, v6;
	v7 =	vadd.f32 v3, v7;
	v2 =	vld.idx.msk [tilespmem:v1+s22+$0x0 ss:$0x1], $0xffff  }
0x2d: {  	v11 =	vadd.f32 v18, v8;
	v16 =	vadd.f32 v19, v9;
	v3 =	vld.idx.msk [tilespmem:v1+s22+$0x10 ss:$0x1], $0xffff  }
.Ltmp0:
0x2e: {  	v8 =	vadd.f32 v4, v10;
	v9 =	vadd.f32 v5, v7;
	v6 =	vld.idx.msk [tilespmem:v1+s22+$0xFFFFFFC0 ss:$0x1], $0xffff;
	(pc) =	sbr.rel @p0 .LBB2_4-.Ltmp0, $4  }
0x2f: {  	v11 =	vadd.f32 v12, v11;
	v10 =	vadd.f32 v13, v16;
	v7 =	vld.idx.msk [tilespmem:v1+s22+$0xFFFFFFD0 ss:$0x1], $0xffff  }
0x30: {  	v4 =	vmov v14;
	v12 =	vld.idx.msk [tilespmem:v1+s22+$0xFFFFFF80 ss:$0x1], $0xffff  }
0x31: {  	v5 =	vmov v15;
	v13 =	vld.idx.msk [tilespmem:v1+s22+$0xFFFFFF90 ss:$0x1], $0xffff  }
0x32: {  	s23 =	sadd.s32 $0x400, s23;
	v14 =	vld.idx.msk [tilespmem:v1+s22+$0xFFFFFFA0 ss:$0x1], $0xffff  }
0x33: {  	_ =	sdelay $0x3  }
0x34: {  	v15 =	vld.idx.msk [tilespmem:v1+s22+$0xFFFFFFB0 ss:$0x1], $0xffff  }
0x35: {  	v16 =	vld.idx.msk [tilespmem:v1+s22+$0xFFFFFFE0 ss:$0x1], $0xffff  }
0x36: {  	v17 =	vld.idx.msk [tilespmem:v1+s22+$0xFFFFFFF0 ss:$0x1], $0xffff  }
0x37: {  	v18 =	vld.idx.msk [tilespmem:v1+s22+$0x20 ss:$0x1], $0xffff  }
0x38: {  	v19 =	vld.idx.msk [tilespmem:v1+s22+$0x30 ss:$0x1], $0xffff;
	v8 =	vadd.f32 v12, v8;
	v11 =	vadd.f32 v14, v11  }
0x39: {  	v58 =	vld.idx.msk [tilespmem:v1+s22+$0x60 ss:$0x1], $0xffff;
	v9 =	vadd.f32 v13, v9;
	v10 =	vadd.f32 v15, v10  }
0x3a: {  	v1 =	vld.idx.msk [tilespmem:v1+s22+$0x70 ss:$0x1], $0xffff;
	v6 =	vadd.f32 v6, v8;
	v59 =	vadd.f32 v16, v11  }
0x3b: {  	v7 =	vadd.f32 v7, v9;
	v60 =	vadd.f32 v17, v10  }
0x3c: {  	v2 =	vadd.f32 v2, v6;
	v61 =	vadd.f32 v18, v59  }
0x3d: {  	s31 =	sshll.u32 s20, $0x5;
	s20 =	sadd.s32 $0x1, s20;
	v3 =	vadd.f32 v3, v7;
	v62 =	vadd.f32 v19, v60  }
0x3e: {  	p0 =	sne.s32 s20, $0x4;
	v2 =	vadd.f32 v4, v2;
	v63 =	vadd.f32 v58, v61  }
.Ltmp1:
0x3f: {  	v3 =	vadd.f32 v5, v3;
	v1 =	vadd.f32 v1, v62;
	(pc) =	sbr.rel @p0 .LBB2_3-.Ltmp1, $4  }
0x40: {  	v2 =	vadd.f32 v63, v2  }
0x41: {  	s22 =	sand.u32 $0x3FFFFFE0, s31;
	v1 =	vadd.f32 v1, v3  }
0x42: {  	[tilespmem:v0+s22+$0x0 ss:$0x1] =	vst.idx.msk $0xffff, v2  }
0x43: {  	s21 =	sadd.s32 $0x1900, s21;
	[tilespmem:v0+s22+$0x10 ss:$0x1] =	vst.idx.msk $0xffff, v1  }
0x44: {  	p0 =	seq.s32 s18, $0xF  }
0x45: {  	s20 =	smul.u32 @!p0 $0x1900, s18;
	_ =	sdelay $0x1  }
0x46: {  	s19 =	sshll.u32 s19, $0x7;
	s20 =	sshra.s32 @!p0 s20, $0x2  }
0x47: {  	s21 =	simm.s32 @!p0 $0x320;
	s22 =	simm.s32 @!p0 $0x6400;
	s20 =	sadd.s32 @!p0 $0x640, s20  }
0x48: {  	[tilespmem:s22], [sflag:$0x1] =	stream.indirect.gather @!p0 [hbm4b:s3+s21], $0x20, s20, s21, $0xb8;
	[tilespmem:$0x13C00] =	vst v63  }
0x49: {  	s19 =	sand.u32 $0x3FFFFF80, s19;
	_ =	swait.ge [sflag:s15], $0x6400  }
0x4a: {  	s31 =	sadd.s32 $0x12C00, s19;
	[sflag:s15] =	ssyncset.done $0x0  }
0x4b: {  	s19 =	simm.s32 $0x0;
	v0 =	vmov s31;
	s20 =	simm.s32 $0xC880;
	[sflag:s15] =	ssyncadd.s32 $0xFFFF9C00  }
.LBB2_7:
0x4c: {  	v1 =	vmov s20;
	_ =	sdelay $0x3  }
0x4d: {  	s21 =	simm.s32 $0x0  }
0x4e: {  	v4 =	vld.idx.msk [tilespmem:v1+s21+$0x40 ss:$0x1], $0xffff  }
0x4f: {  	v5 =	vld.idx.msk [tilespmem:v1+s21+$0x50 ss:$0x1], $0xffff  }
0x50: {  	v2 =	vld.idx.msk [tilespmem:v1+s21+$0x0 ss:$0x1], $0xffff  }
0x51: {  	v3 =	vld.idx.msk [tilespmem:v1+s21+$0x10 ss:$0x1], $0xffff  }
0x52: {  	v6 =	vld.idx.msk [tilespmem:v1+s21+$0xFFFFFFC0 ss:$0x1], $0xffff  }
0x53: {  	v7 =	vld.idx.msk [tilespmem:v1+s21+$0xFFFFFFD0 ss:$0x1], $0xffff  }
0x54: {  	v12 =	vld.idx.msk [tilespmem:v1+s21+$0xFFFFFF80 ss:$0x1], $0xffff  }
0x55: {  	v8 =	vimm.f32 $0.0e+00;
	v13 =	vld.idx.msk [tilespmem:v1+s21+$0xFFFFFF90 ss:$0x1], $0xffff  }
0x56: {  	s22 =	simm.s32 $0x400;
	v9 =	vimm.f32 $0.0e+00;
	v11 =	vimm.f32 $0.0e+00;
	v10 =	vimm.f32 $0.0e+00;
	v14 =	vld.idx.msk [tilespmem:v1+s21+$0xFFFFFFA0 ss:$0x1], $0xffff  }
.LBB2_8:
0x57: {  	p0 =	sne.s32 s22, $0x6000;
	v15 =	vld.idx.msk [tilespmem:v1+s21+$0xFFFFFFB0 ss:$0x1], $0xffff  }
0x58: {  	v16 =	vld.idx.msk [tilespmem:v1+s21+$0xFFFFFFE0 ss:$0x1], $0xffff  }
0x59: {  	v17 =	vld.idx.msk [tilespmem:v1+s21+$0xFFFFFFF0 ss:$0x1], $0xffff  }
0x5a: {  	v18 =	vld.idx.msk [tilespmem:v1+s21+$0x20 ss:$0x1], $0xffff  }
0x5b: {  	v19 =	vld.idx.msk [tilespmem:v1+s21+$0x30 ss:$0x1], $0xffff  }
0x5c: {  	v8 =	vadd.f32 v12, v8;
	v9 =	vadd.f32 v13, v9;
	v12 =	vld.idx.msk [tilespmem:v1+s21+$0x60 ss:$0x1], $0xffff  }
0x5d: {  	v11 =	vadd.f32 v14, v11;
	v10 =	vadd.f32 v15, v10;
	v13 =	vld.idx.msk [tilespmem:v1+s21+$0x70 ss:$0x1], $0xffff;
	s21 =	sshra.s32 s22, $0x2  }
0x5e: {  	v6 =	vadd.f32 v6, v8;
	v7 =	vadd.f32 v7, v9;
	v14 =	vld.idx.msk [tilespmem:v1+s21+$0x40 ss:$0x1], $0xffff  }
0x5f: {  	v8 =	vadd.f32 v16, v11;
	v9 =	vadd.f32 v17, v10;
	v15 =	vld.idx.msk [tilespmem:v1+s21+$0x50 ss:$0x1], $0xffff  }
0x60: {  	v10 =	vadd.f32 v2, v6;
	v7 =	vadd.f32 v3, v7;
	v2 =	vld.idx.msk [tilespmem:v1+s21+$0x0 ss:$0x1], $0xffff  }
0x61: {  	v11 =	vadd.f32 v18, v8;
	v16 =	vadd.f32 v19, v9;
	v3 =	vld.idx.msk [tilespmem:v1+s21+$0x10 ss:$0x1], $0xffff  }
.Ltmp2:
0x62: {  	v8 =	vadd.f32 v4, v10;
	v9 =	vadd.f32 v5, v7;
	v6 =	vld.idx.msk [tilespmem:v1+s21+$0xFFFFFFC0 ss:$0x1], $0xffff;
	(pc) =	sbr.rel @p0 .LBB2_8-.Ltmp2, $4  }
0x63: {  	v11 =	vadd.f32 v12, v11;
	v10 =	vadd.f32 v13, v16;
	v7 =	vld.idx.msk [tilespmem:v1+s21+$0xFFFFFFD0 ss:$0x1], $0xffff  }
0x64: {  	v4 =	vmov v14;
	v12 =	vld.idx.msk [tilespmem:v1+s21+$0xFFFFFF80 ss:$0x1], $0xffff  }
0x65: {  	v5 =	vmov v15;
	v13 =	vld.idx.msk [tilespmem:v1+s21+$0xFFFFFF90 ss:$0x1], $0xffff  }
0x66: {  	s22 =	sadd.s32 $0x400, s22;
	v14 =	vld.idx.msk [tilespmem:v1+s21+$0xFFFFFFA0 ss:$0x1], $0xffff  }
0x67: {  	_ =	sdelay $0x3  }
0x68: {  	v15 =	vld.idx.msk [tilespmem:v1+s21+$0xFFFFFFB0 ss:$0x1], $0xffff  }
0x69: {  	v16 =	vld.idx.msk [tilespmem:v1+s21+$0xFFFFFFE0 ss:$0x1], $0xffff  }
0x6a: {  	v17 =	vld.idx.msk [tilespmem:v1+s21+$0xFFFFFFF0 ss:$0x1], $0xffff  }
0x6b: {  	v18 =	vld.idx.msk [tilespmem:v1+s21+$0x20 ss:$0x1], $0xffff  }
0x6c: {  	v19 =	vld.idx.msk [tilespmem:v1+s21+$0x30 ss:$0x1], $0xffff;
	v8 =	vadd.f32 v12, v8;
	v11 =	vadd.f32 v14, v11  }
0x6d: {  	v58 =	vld.idx.msk [tilespmem:v1+s21+$0x60 ss:$0x1], $0xffff;
	v9 =	vadd.f32 v13, v9;
	v10 =	vadd.f32 v15, v10  }
0x6e: {  	v1 =	vld.idx.msk [tilespmem:v1+s21+$0x70 ss:$0x1], $0xffff;
	v6 =	vadd.f32 v6, v8;
	v59 =	vadd.f32 v16, v11  }
0x6f: {  	v7 =	vadd.f32 v7, v9;
	v60 =	vadd.f32 v17, v10  }
0x70: {  	v2 =	vadd.f32 v2, v6;
	v61 =	vadd.f32 v18, v59  }
0x71: {  	s31 =	sshll.u32 s19, $0x5;
	s19 =	sadd.s32 $0x1, s19;
	v3 =	vadd.f32 v3, v7;
	v62 =	vadd.f32 v19, v60  }
0x72: {  	p0 =	sne.s32 s19, $0x4;
	v2 =	vadd.f32 v4, v2;
	v63 =	vadd.f32 v58, v61  }
.Ltmp3:
0x73: {  	v3 =	vadd.f32 v5, v3;
	v1 =	vadd.f32 v1, v62;
	(pc) =	sbr.rel @p0 .LBB2_7-.Ltmp3, $4  }
0x74: {  	v2 =	vadd.f32 v63, v2  }
0x75: {  	s21 =	sand.u32 $0x3FFFFFE0, s31;
	v1 =	vadd.f32 v1, v3  }
0x76: {  	[tilespmem:v0+s21+$0x0 ss:$0x1] =	vst.idx.msk $0xffff, v2  }
0x77: {  	s20 =	sadd.s32 $0x1900, s20;
	[tilespmem:v0+s21+$0x10 ss:$0x1] =	vst.idx.msk $0xffff, v1  }
0x78: {  	s18 =	sadd.s32 $0x1, s18  }
0x79: {  	p0 =	sne.s32 s18, $0x10  }
.Ltmp4:
0x7a: {  	_ = 	snop;
	(pc) =	sbr.rel @p0 .LBB2_2-.Ltmp4, $1  }
0x7b: {  	_ =	sdelay $0x3  }
0x7c: {  	s18 =	simm.s32 $0x0  }
0x7d: {  	[hbm4b:s6+s18] =	stream.linear.scatter [tilespmem:s16], [sflag:$0x3], $0x1000, $0x38;
	[tilespmem:$0x13C00] =	vst v63  }
0x7e: {  	_ =	swait.ge [sflag:s10], $0x1000  }
0x7f: {  	[sflag:s10] =	ssyncset.done $0x0  }
0x80: {  	[sflag:s10] =	ssyncadd.s32 $0xFFFFF000  }
0x81: {  	[tilespmem:s18], [sflag:$0x3] =	stream.linear.gather [hbm4b:s7+s18], $0x6400, $0x38;
	[tilespmem:$0x13C00] =	vst v63  }
0x82: {  	_ =	swait.ge [sflag:s10], $0x6400  }
0x83: {  	[sflag:s10] =	ssyncset.done $0x0  }
0x84: {  	[sflag:s10] =	ssyncadd.s32 $0xFFFF9C00  }
0x85: {  	[tilespmem:s12], [sflag:$0x1] =	stream.indirect.gather [hbm4b:s4+s11], $0x20, s18, s11, $0xb8;
	[tilespmem:$0x13C00] =	vst v63  }
.LBB2_12:
0x86: {  	s19 =	sshllo.u32 s18, $0x1  }
0x87: {  	s20 =	smul.u32 $0xC80, s19;
	_ =	sdelay $0x1  }
0x88: {  	s31 =	sshll.u32 s18, $0x8;
	s20 =	sshra.s32 s20, $0x2  }
0x89: {  	[tilespmem:s13], [sflag:$0x2] =	stream.indirect.gather [hbm4b:s4+s11], $0x20, s20, s11, $0xb8;
	[tilespmem:$0x13C00] =	vst v63  }
0x8a: {  	s20 =	sand.u32 $0x3FFFFF00, s31;
	_ =	swait.ge [sflag:s14], $0x6400  }
0x8b: {  	s21 =	sadd.s32 $0x12C00, s20;
	[sflag:s14] =	ssyncset.done $0x0  }
0x8c: {  	s20 =	simm.s32 $0x6480;
	v0 =	vmov s21;
	s21 =	simm.s32 $0x0;
	[sflag:s14] =	ssyncadd.s32 $0xFFFF9C00  }
.LBB2_13:
0x8d: {  	v1 =	vmov s20;
	_ =	sdelay $0x3  }
0x8e: {  	s22 =	simm.s32 $0x0  }
0x8f: {  	v4 =	vld.idx.msk [tilespmem:v1+s22+$0x40 ss:$0x1], $0xffff  }
0x90: {  	v5 =	vld.idx.msk [tilespmem:v1+s22+$0x50 ss:$0x1], $0xffff  }
0x91: {  	v2 =	vld.idx.msk [tilespmem:v1+s22+$0x0 ss:$0x1], $0xffff  }
0x92: {  	v3 =	vld.idx.msk [tilespmem:v1+s22+$0x10 ss:$0x1], $0xffff  }
0x93: {  	v6 =	vld.idx.msk [tilespmem:v1+s22+$0xFFFFFFC0 ss:$0x1], $0xffff  }
0x94: {  	v7 =	vld.idx.msk [tilespmem:v1+s22+$0xFFFFFFD0 ss:$0x1], $0xffff  }
0x95: {  	v12 =	vld.idx.msk [tilespmem:v1+s22+$0xFFFFFF80 ss:$0x1], $0xffff  }
0x96: {  	v8 =	vimm.f32 $0.0e+00;
	v13 =	vld.idx.msk [tilespmem:v1+s22+$0xFFFFFF90 ss:$0x1], $0xffff  }
0x97: {  	s23 =	simm.s32 $0x400;
	v9 =	vimm.f32 $0.0e+00;
	v11 =	vimm.f32 $0.0e+00;
	v10 =	vimm.f32 $0.0e+00;
	v14 =	vld.idx.msk [tilespmem:v1+s22+$0xFFFFFFA0 ss:$0x1], $0xffff  }
.LBB2_14:
0x98: {  	p0 =	sne.s32 s23, $0x6000;
	v15 =	vld.idx.msk [tilespmem:v1+s22+$0xFFFFFFB0 ss:$0x1], $0xffff  }
0x99: {  	v16 =	vld.idx.msk [tilespmem:v1+s22+$0xFFFFFFE0 ss:$0x1], $0xffff  }
0x9a: {  	v17 =	vld.idx.msk [tilespmem:v1+s22+$0xFFFFFFF0 ss:$0x1], $0xffff  }
0x9b: {  	v18 =	vld.idx.msk [tilespmem:v1+s22+$0x20 ss:$0x1], $0xffff  }
0x9c: {  	v19 =	vld.idx.msk [tilespmem:v1+s22+$0x30 ss:$0x1], $0xffff  }
0x9d: {  	v8 =	vadd.f32 v12, v8;
	v9 =	vadd.f32 v13, v9;
	v12 =	vld.idx.msk [tilespmem:v1+s22+$0x60 ss:$0x1], $0xffff  }
0x9e: {  	v11 =	vadd.f32 v14, v11;
	v10 =	vadd.f32 v15, v10;
	v13 =	vld.idx.msk [tilespmem:v1+s22+$0x70 ss:$0x1], $0xffff;
	s22 =	sshra.s32 s23, $0x2  }
0x9f: {  	v6 =	vadd.f32 v6, v8;
	v7 =	vadd.f32 v7, v9;
	v14 =	vld.idx.msk [tilespmem:v1+s22+$0x40 ss:$0x1], $0xffff  }
0xa0: {  	v8 =	vadd.f32 v16, v11;
	v9 =	vadd.f32 v17, v10;
	v15 =	vld.idx.msk [tilespmem:v1+s22+$0x50 ss:$0x1], $0xffff  }
0xa1: {  	v10 =	vadd.f32 v2, v6;
	v7 =	vadd.f32 v3, v7;
	v2 =	vld.idx.msk [tilespmem:v1+s22+$0x0 ss:$0x1], $0xffff  }
0xa2: {  	v11 =	vadd.f32 v18, v8;
	v16 =	vadd.f32 v19, v9;
	v3 =	vld.idx.msk [tilespmem:v1+s22+$0x10 ss:$0x1], $0xffff  }
.Ltmp5:
0xa3: {  	v8 =	vadd.f32 v4, v10;
	v9 =	vadd.f32 v5, v7;
	v6 =	vld.idx.msk [tilespmem:v1+s22+$0xFFFFFFC0 ss:$0x1], $0xffff;
	(pc) =	sbr.rel @p0 .LBB2_14-.Ltmp5, $4  }
0xa4: {  	v11 =	vadd.f32 v12, v11;
	v10 =	vadd.f32 v13, v16;
	v7 =	vld.idx.msk [tilespmem:v1+s22+$0xFFFFFFD0 ss:$0x1], $0xffff  }
0xa5: {  	v4 =	vmov v14;
	v12 =	vld.idx.msk [tilespmem:v1+s22+$0xFFFFFF80 ss:$0x1], $0xffff  }
0xa6: {  	v5 =	vmov v15;
	v13 =	vld.idx.msk [tilespmem:v1+s22+$0xFFFFFF90 ss:$0x1], $0xffff  }
0xa7: {  	s23 =	sadd.s32 $0x400, s23;
	v14 =	vld.idx.msk [tilespmem:v1+s22+$0xFFFFFFA0 ss:$0x1], $0xffff  }
0xa8: {  	_ =	sdelay $0x3  }
0xa9: {  	v15 =	vld.idx.msk [tilespmem:v1+s22+$0xFFFFFFB0 ss:$0x1], $0xffff  }
0xaa: {  	v16 =	vld.idx.msk [tilespmem:v1+s22+$0xFFFFFFE0 ss:$0x1], $0xffff  }
0xab: {  	v17 =	vld.idx.msk [tilespmem:v1+s22+$0xFFFFFFF0 ss:$0x1], $0xffff  }
0xac: {  	v18 =	vld.idx.msk [tilespmem:v1+s22+$0x20 ss:$0x1], $0xffff  }
0xad: {  	v19 =	vld.idx.msk [tilespmem:v1+s22+$0x30 ss:$0x1], $0xffff;
	v8 =	vadd.f32 v12, v8;
	v11 =	vadd.f32 v14, v11  }
0xae: {  	v58 =	vld.idx.msk [tilespmem:v1+s22+$0x60 ss:$0x1], $0xffff;
	v9 =	vadd.f32 v13, v9;
	v10 =	vadd.f32 v15, v10  }
0xaf: {  	v1 =	vld.idx.msk [tilespmem:v1+s22+$0x70 ss:$0x1], $0xffff;
	v6 =	vadd.f32 v6, v8;
	v59 =	vadd.f32 v16, v11  }
0xb0: {  	v7 =	vadd.f32 v7, v9;
	v60 =	vadd.f32 v17, v10  }
0xb1: {  	v2 =	vadd.f32 v2, v6;
	v61 =	vadd.f32 v18, v59  }
0xb2: {  	s31 =	sshll.u32 s21, $0x5;
	s21 =	sadd.s32 $0x1, s21;
	v3 =	vadd.f32 v3, v7;
	v62 =	vadd.f32 v19, v60  }
0xb3: {  	p0 =	sne.s32 s21, $0x4;
	v2 =	vadd.f32 v4, v2;
	v63 =	vadd.f32 v58, v61  }
.Ltmp6:
0xb4: {  	v3 =	vadd.f32 v5, v3;
	v1 =	vadd.f32 v1, v62;
	(pc) =	sbr.rel @p0 .LBB2_13-.Ltmp6, $4  }
0xb5: {  	v2 =	vadd.f32 v63, v2  }
0xb6: {  	s22 =	sand.u32 $0x3FFFFFE0, s31;
	v1 =	vadd.f32 v1, v3  }
0xb7: {  	[tilespmem:v0+s22+$0x0 ss:$0x1] =	vst.idx.msk $0xffff, v2  }
0xb8: {  	s20 =	sadd.s32 $0x1900, s20;
	[tilespmem:v0+s22+$0x10 ss:$0x1] =	vst.idx.msk $0xffff, v1  }
0xb9: {  	p0 =	seq.s32 s18, $0xF  }
0xba: {  	s20 =	smul.u32 @!p0 $0x1900, s18;
	_ =	sdelay $0x1  }
0xbb: {  	s19 =	sshll.u32 s19, $0x7;
	s20 =	sshra.s32 @!p0 s20, $0x2  }
0xbc: {  	s21 =	simm.s32 @!p0 $0x320;
	s22 =	simm.s32 @!p0 $0x6400;
	s20 =	sadd.s32 @!p0 $0x640, s20  }
0xbd: {  	[tilespmem:s22], [sflag:$0x1] =	stream.indirect.gather @!p0 [hbm4b:s4+s21], $0x20, s20, s21, $0xb8;
	[tilespmem:$0x13C00] =	vst v63  }
0xbe: {  	s19 =	sand.u32 $0x3FFFFF80, s19;
	_ =	swait.ge [sflag:s15], $0x6400  }
0xbf: {  	s31 =	sadd.s32 $0x12C00, s19;
	[sflag:s15] =	ssyncset.done $0x0  }
0xc0: {  	s19 =	simm.s32 $0x0;
	v0 =	vmov s31;
	s20 =	simm.s32 $0xC880;
	[sflag:s15] =	ssyncadd.s32 $0xFFFF9C00  }
.LBB2_17:
0xc1: {  	v1 =	vmov s20;
	_ =	sdelay $0x3  }
0xc2: {  	s21 =	simm.s32 $0x0  }
0xc3: {  	v4 =	vld.idx.msk [tilespmem:v1+s21+$0x40 ss:$0x1], $0xffff  }
0xc4: {  	v5 =	vld.idx.msk [tilespmem:v1+s21+$0x50 ss:$0x1], $0xffff  }
0xc5: {  	v2 =	vld.idx.msk [tilespmem:v1+s21+$0x0 ss:$0x1], $0xffff  }
0xc6: {  	v3 =	vld.idx.msk [tilespmem:v1+s21+$0x10 ss:$0x1], $0xffff  }
0xc7: {  	v6 =	vld.idx.msk [tilespmem:v1+s21+$0xFFFFFFC0 ss:$0x1], $0xffff  }
0xc8: {  	v7 =	vld.idx.msk [tilespmem:v1+s21+$0xFFFFFFD0 ss:$0x1], $0xffff  }
0xc9: {  	v12 =	vld.idx.msk [tilespmem:v1+s21+$0xFFFFFF80 ss:$0x1], $0xffff  }
0xca: {  	v8 =	vimm.f32 $0.0e+00;
	v13 =	vld.idx.msk [tilespmem:v1+s21+$0xFFFFFF90 ss:$0x1], $0xffff  }
0xcb: {  	s22 =	simm.s32 $0x400;
	v9 =	vimm.f32 $0.0e+00;
	v11 =	vimm.f32 $0.0e+00;
	v10 =	vimm.f32 $0.0e+00;
	v14 =	vld.idx.msk [tilespmem:v1+s21+$0xFFFFFFA0 ss:$0x1], $0xffff  }
.LBB2_18:
0xcc: {  	p0 =	sne.s32 s22, $0x6000;
	v15 =	vld.idx.msk [tilespmem:v1+s21+$0xFFFFFFB0 ss:$0x1], $0xffff  }
0xcd: {  	v16 =	vld.idx.msk [tilespmem:v1+s21+$0xFFFFFFE0 ss:$0x1], $0xffff  }
0xce: {  	v17 =	vld.idx.msk [tilespmem:v1+s21+$0xFFFFFFF0 ss:$0x1], $0xffff  }
0xcf: {  	v18 =	vld.idx.msk [tilespmem:v1+s21+$0x20 ss:$0x1], $0xffff  }
0xd0: {  	v19 =	vld.idx.msk [tilespmem:v1+s21+$0x30 ss:$0x1], $0xffff  }
0xd1: {  	v8 =	vadd.f32 v12, v8;
	v9 =	vadd.f32 v13, v9;
	v12 =	vld.idx.msk [tilespmem:v1+s21+$0x60 ss:$0x1], $0xffff  }
0xd2: {  	v11 =	vadd.f32 v14, v11;
	v10 =	vadd.f32 v15, v10;
	v13 =	vld.idx.msk [tilespmem:v1+s21+$0x70 ss:$0x1], $0xffff;
	s21 =	sshra.s32 s22, $0x2  }
0xd3: {  	v6 =	vadd.f32 v6, v8;
	v7 =	vadd.f32 v7, v9;
	v14 =	vld.idx.msk [tilespmem:v1+s21+$0x40 ss:$0x1], $0xffff  }
0xd4: {  	v8 =	vadd.f32 v16, v11;
	v9 =	vadd.f32 v17, v10;
	v15 =	vld.idx.msk [tilespmem:v1+s21+$0x50 ss:$0x1], $0xffff  }
0xd5: {  	v10 =	vadd.f32 v2, v6;
	v7 =	vadd.f32 v3, v7;
	v2 =	vld.idx.msk [tilespmem:v1+s21+$0x0 ss:$0x1], $0xffff  }
0xd6: {  	v11 =	vadd.f32 v18, v8;
	v16 =	vadd.f32 v19, v9;
	v3 =	vld.idx.msk [tilespmem:v1+s21+$0x10 ss:$0x1], $0xffff  }
.Ltmp7:
0xd7: {  	v8 =	vadd.f32 v4, v10;
	v9 =	vadd.f32 v5, v7;
	v6 =	vld.idx.msk [tilespmem:v1+s21+$0xFFFFFFC0 ss:$0x1], $0xffff;
	(pc) =	sbr.rel @p0 .LBB2_18-.Ltmp7, $4  }
0xd8: {  	v11 =	vadd.f32 v12, v11;
	v10 =	vadd.f32 v13, v16;
	v7 =	vld.idx.msk [tilespmem:v1+s21+$0xFFFFFFD0 ss:$0x1], $0xffff  }
0xd9: {  	v4 =	vmov v14;
	v12 =	vld.idx.msk [tilespmem:v1+s21+$0xFFFFFF80 ss:$0x1], $0xffff  }
0xda: {  	v5 =	vmov v15;
	v13 =	vld.idx.msk [tilespmem:v1+s21+$0xFFFFFF90 ss:$0x1], $0xffff  }
0xdb: {  	s22 =	sadd.s32 $0x400, s22;
	v14 =	vld.idx.msk [tilespmem:v1+s21+$0xFFFFFFA0 ss:$0x1], $0xffff  }
0xdc: {  	_ =	sdelay $0x3  }
0xdd: {  	v15 =	vld.idx.msk [tilespmem:v1+s21+$0xFFFFFFB0 ss:$0x1], $0xffff  }
0xde: {  	v16 =	vld.idx.msk [tilespmem:v1+s21+$0xFFFFFFE0 ss:$0x1], $0xffff  }
0xdf: {  	v17 =	vld.idx.msk [tilespmem:v1+s21+$0xFFFFFFF0 ss:$0x1], $0xffff  }
0xe0: {  	v18 =	vld.idx.msk [tilespmem:v1+s21+$0x20 ss:$0x1], $0xffff  }
0xe1: {  	v19 =	vld.idx.msk [tilespmem:v1+s21+$0x30 ss:$0x1], $0xffff;
	v8 =	vadd.f32 v12, v8;
	v11 =	vadd.f32 v14, v11  }
0xe2: {  	v58 =	vld.idx.msk [tilespmem:v1+s21+$0x60 ss:$0x1], $0xffff;
	v9 =	vadd.f32 v13, v9;
	v10 =	vadd.f32 v15, v10  }
0xe3: {  	v1 =	vld.idx.msk [tilespmem:v1+s21+$0x70 ss:$0x1], $0xffff;
	v6 =	vadd.f32 v6, v8;
	v59 =	vadd.f32 v16, v11  }
0xe4: {  	v7 =	vadd.f32 v7, v9;
	v60 =	vadd.f32 v17, v10  }
0xe5: {  	v2 =	vadd.f32 v2, v6;
	v61 =	vadd.f32 v18, v59  }
0xe6: {  	s31 =	sshll.u32 s19, $0x5;
	s19 =	sadd.s32 $0x1, s19;
	v3 =	vadd.f32 v3, v7;
	v62 =	vadd.f32 v19, v60  }
0xe7: {  	p0 =	sne.s32 s19, $0x4;
	v2 =	vadd.f32 v4, v2;
	v63 =	vadd.f32 v58, v61  }
.Ltmp8:
0xe8: {  	v3 =	vadd.f32 v5, v3;
	v1 =	vadd.f32 v1, v62;
	(pc) =	sbr.rel @p0 .LBB2_17-.Ltmp8, $4  }
0xe9: {  	v2 =	vadd.f32 v63, v2  }
0xea: {  	s21 =	sand.u32 $0x3FFFFFE0, s31;
	v1 =	vadd.f32 v1, v3  }
0xeb: {  	[tilespmem:v0+s21+$0x0 ss:$0x1] =	vst.idx.msk $0xffff, v2  }
0xec: {  	s20 =	sadd.s32 $0x1900, s20;
	[tilespmem:v0+s21+$0x10 ss:$0x1] =	vst.idx.msk $0xffff, v1  }
0xed: {  	s18 =	sadd.s32 $0x1, s18  }
0xee: {  	p0 =	sne.s32 s18, $0x10  }
.Ltmp9:
0xef: {  	_ = 	snop;
	(pc) =	sbr.rel @p0 .LBB2_12-.Ltmp9, $1  }
0xf0: {  	_ =	sdelay $0x3  }
0xf1: {  	s17 =	sadd.s32 $0x1, s17  }
0xf2: {  	p0 =	sne.s32 s17, s9  }
.Ltmp10:
0xf3: {  	_ = 	snop;
	(pc) =	sbr.rel @p0 .LBB2_1-.Ltmp10, $4  }
0xf4: {  	[hbm4b:s8+s2] =	stream.linear.scatter [tilespmem:s16], [sflag:$0x3], $0x1000, $0x38;
	[tilespmem:$0x13C00] =	vst v63  }
0xf5: {  	_ =	swait.ge [sflag:s10], $0x1000  }
0xf6: {  	[sflag:s10] =	ssyncset.done $0x0  }
0xf7: {  	[sflag:s10] =	ssyncadd.s32 $0xFFFFF000  }
0xf8: {  	_ =	sfence.sel $0x180000  }
0xf9: {  	[bflag:$0x0] =	sbarrier.arrive $0xFFFF  }
0xfa: {  	p0 =	sne.s32 s0, $0x0;
	_ =	strace $0x90000047  }
0xfb: {  	s0 =	sadd.s32 @!p0 $0x100000, s1;
	[bflag:$0x2] =	sbarrier.arrive $0xFFFF  }
0xfc: {  	[sflag:s0] =	ssyncadd.tile.s32 @!p0 $0x1;
	_ =	shalt  }
.Lfunc_end2:
_tile_overlayer_lowered:
.L_overlay_start_2:
0xfd: {  	(tag) =	ssettag $0x2  }
0xfe: {  	s0 =	rddreg [dreg:$0x0];
	s2 =	stileid.u32  }
0xff: {  	s1 =	rddreg [dreg:$0x1];
	p0 =	sne.s32 s2, $0x0  }
0x100: {  	s3 =	rddreg [dreg:$0x2];
	[bflag:$0x3] =	sbarrier.arrive $0xFFFF;
	s2 =	simm.s32 @!p0 $0x1C03  }
0x101: {  	[timem:s3], [sflag:s2] =	dma.local @!p0 [hbm:s0], s1  }
0x102: {  	s0 =	simm.s32 @!p0 $0x3  }
0x103: {  	_ =	swait.ge @!p0 [sflag:s0], s1  }
0x104: {  	s1 =	ssub.s32 @!p0 $0x0, s1;
	[sflag:s0] =	ssyncset.done @!p0 $0x0  }
0x105: {  	[sflag:s0] =	ssyncadd.s32 @!p0 s1  }
0x106: {  	[bflag:$0x3] =	sbarrier.arrive $0xFFFF  }
0x107: {  	_ =	shalt  }

</sc_bundles>
